<compile_context>
chip_gen: v7x
topology: tpu7x:2x2x1
jax: 0.10.2.dev20260603
libtpu: 0.0.44.dev20260713+nightly
codegen_flags: <defaults>
</compile_context>

<pallas_src>
import jax
import jax.numpy as jnp
from jax import lax
from jax.experimental import pallas as pl
from jax.experimental.pallas import tpu as pltpu
from jax.experimental.pallas import tpu_sc as plsc

B = 16384
D = 192
DP = 256
H = 768
NC = 2
NS = 16
NW = NC * NS
BPW = B // NW
CH = 256


NCH = BPW // CH


def _gather_body(idx_hbm, tab, out, idx_v, buf0, buf1, sem0, sem1):
    wid = lax.axis_index("s") * NC + lax.axis_index("c")
    base = wid * BPW
    pltpu.sync_copy(idx_hbm.at[pl.ds(base, BPW)], idx_v)
    bufs, sems = (buf0, buf1), (sem0, sem1)
    copies = [None] * NCH
    for ch in range(NCH):
        ids = idx_v.at[pl.ds(ch * CH, CH)]
        copies[ch] = pltpu.async_copy(tab.at[ids], bufs[ch % 2], sems[ch % 2])
        if ch > 0:
            copies[ch - 1].wait()
            pltpu.sync_copy(bufs[(ch - 1) % 2],
                            out.at[pl.ds(base + (ch - 1) * CH, CH)])
    copies[NCH - 1].wait()
    pltpu.sync_copy(bufs[(NCH - 1) % 2],
                    out.at[pl.ds(base + (NCH - 1) * CH, CH)])


_gather1 = pl.kernel(
    _gather_body,
    mesh=plsc.VectorSubcoreMesh(core_axis_name="c", subcore_axis_name="s"),
    out_type=jax.ShapeDtypeStruct((B, DP // 2), jnp.float32),
    scratch_types=[
        pltpu.VMEM((BPW,), jnp.int32),
        pltpu.VMEM((CH, DP // 2), jnp.float32),
        pltpu.VMEM((CH, DP // 2), jnp.float32),
        pltpu.SemaphoreType.DMA,
        pltpu.SemaphoreType.DMA,
    ],
)


BM = 2048


def _unpack2(p):
    w = jax.lax.bitcast_convert_type(p[...], jnp.int32)
    lo = jax.lax.bitcast_convert_type(
        jax.lax.shift_left(w, 16), jnp.float32)
    hi = jax.lax.bitcast_convert_type(w & jnp.int32(-65536), jnp.float32)
    return lo, hi


def _mlp_body(xc, xb, xi, xs, w1, b1, w2, b2, out):
    pieces = []
    for p in (xc, xb, xi, xs):
        lo, hi = _unpack2(p)
        pieces.append(lo)
        pieces.append(hi[:, :D - 128])
    x = jnp.concatenate(pieces, axis=-1).astype(jnp.bfloat16)
    h = jnp.maximum(
        jnp.dot(x, w1[...], preferred_element_type=jnp.float32) + b1[...],
        0.0).astype(jnp.bfloat16)
    out[...] = jnp.dot(h, w2[...], preferred_element_type=jnp.float32) + b2[...]


_mlp = pl.pallas_call(
    _mlp_body,
    grid=(B // BM,),
    in_specs=[pl.BlockSpec((BM, DP // 2), lambda i: (i, 0)) for _ in range(4)] + [
        pl.BlockSpec((4 * D, H), lambda i: (0, 0)),
        pl.BlockSpec((1, H), lambda i: (0, 0)),
        pl.BlockSpec((H, H), lambda i: (0, 0)),
        pl.BlockSpec((1, H), lambda i: (0, 0)),
    ],
    out_specs=pl.BlockSpec((BM, H), lambda i: (i, 0)),
    out_shape=jax.ShapeDtypeStruct((B, H), jnp.float32),
)


BV = 8192


def _pack_bits(x):
    r = x.astype(jnp.bfloat16).astype(jnp.float32)
    return jax.lax.bitcast_convert_type(r, jnp.int32)


def _relayout_body(xt, out):
    t = xt[...].T
    lo = _pack_bits(t[:, :128])
    hi = _pack_bits(jnp.concatenate(
        [t[:, 128:], jnp.zeros((t.shape[0], DP - D), jnp.float32)], axis=-1))
    word = jax.lax.shift_right_logical(lo, 16) | (hi & jnp.int32(-65536))
    out[...] = jax.lax.bitcast_convert_type(word, jnp.float32)


def _relayout(emb):
    v = emb.shape[0]
    nb = (v + BV - 1) // BV
    return pl.pallas_call(
        _relayout_body,
        grid=(nb,),
        in_specs=[pl.BlockSpec((D, BV), lambda i: (0, i))],
        out_specs=pl.BlockSpec((BV, DP // 2), lambda i: (i, 0)),
        out_shape=jax.ShapeDtypeStruct((v, DP // 2), jnp.float32),
    )(emb.T)


def kernel(category, brand, item_id, seller,
           emb_category, emb_brand, emb_item_id, emb_seller,
           W1, b1, W2, b2):
    idx = [x.astype(jnp.int32) for x in (category, brand, item_id, seller)]
    parts = []
    prev = None
    for i, e in enumerate((emb_category, emb_brand, emb_item_id, emb_seller)):
        if prev is not None:
            e, _ = jax.lax.optimization_barrier((e, prev))
        t = _relayout(e)
        prev = t
        parts.append(_gather1(idx[i], t))
    return _mlp(*parts, W1.astype(jnp.bfloat16), b1.reshape(1, H),
                W2.astype(jnp.bfloat16), b2.reshape(1, H))

# --- scband reference (transcript-rebuilt; emitter-appended) ---
"""Pipeline reference for scband-metadata-encoder-35012573397520 (READ-ONLY COPY).

The authoritative reference and input builder live on the scoring server;
editing this copy changes nothing except your own understanding.
"""

import jax, jax.numpy as jnp
import numpy as np

B = 16384
H = 768
D = H // 4  # 192
VOCABS = {"category": 1000, "brand": 100000, "item_id": 100000, "seller": 100000}


def setup_inputs(seed: int = 0) -> dict:
    key = jax.random.key(seed)
    ks = jax.random.split(key, 16)
    inp = {}
    # index tensors (forward args)
    inp["category"] = jax.random.randint(ks[0], (B,), 0, VOCABS["category"], dtype=jnp.int64 if jax.config.jax_enable_x64 else jnp.int32)
    inp["brand"] = jax.random.randint(ks[1], (B,), 0, VOCABS["brand"], dtype=jnp.int64 if jax.config.jax_enable_x64 else jnp.int32)
    inp["item_id"] = jax.random.randint(ks[2], (B,), 0, VOCABS["item_id"], dtype=jnp.int64 if jax.config.jax_enable_x64 else jnp.int32)
    inp["seller"] = jax.random.randint(ks[3], (B,), 0, VOCABS["seller"], dtype=jnp.int64 if jax.config.jax_enable_x64 else jnp.int32)
    # learned parameters
    inp["emb_category"] = jax.random.normal(ks[4], (VOCABS["category"], D), dtype=jnp.float32)
    inp["emb_brand"] = jax.random.normal(ks[5], (VOCABS["brand"], D), dtype=jnp.float32)
    inp["emb_item_id"] = jax.random.normal(ks[6], (VOCABS["item_id"], D), dtype=jnp.float32)
    inp["emb_seller"] = jax.random.normal(ks[7], (VOCABS["seller"], D), dtype=jnp.float32)
    inp["W1"] = jax.random.normal(ks[8], (4 * D, H), dtype=jnp.float32) * (1.0 / np.sqrt(4 * D))
    inp["b1"] = jnp.zeros((H,), dtype=jnp.float32)
    inp["W2"] = jax.random.normal(ks[9], (H, H), dtype=jnp.float32) * (1.0 / np.sqrt(H))
    inp["b2"] = jnp.zeros((H,), dtype=jnp.float32)
    return inp


def reference(category, brand, item_id, seller,
              emb_category, emb_brand, emb_item_id, emb_seller,
              W1, b1, W2, b2):
    # embedding lookups (gather) per metadata field
    e_cat = jnp.take(emb_category, category, axis=0)
    e_brand = jnp.take(emb_brand, brand, axis=0)
    e_item = jnp.take(emb_item_id, item_id, axis=0)
    e_seller = jnp.take(emb_seller, seller, axis=0)
    # concat along feature dim: [B, 4*D]
    concatenated = jnp.concatenate([e_cat, e_brand, e_item, e_seller], axis=-1)
    # fusion MLP: Linear -> ReLU -> (Dropout eval = identity) -> Linear
    h = jnp.maximum(concatenated @ W1 + b1, 0.0)
    embeddings = h @ W2 + b2
    return embeddings

if __name__ == "__main__":
    import jax
    _d = setup_inputs()
    print(jax.jit(kernel)(*tuple(_d.values())))

</pallas_src>

<mosaic_0001>
#map = affine_map<(d0, d1) -> (0)>
#map1 = affine_map<(d0, d1) -> (0, 0)>
module attributes {stable_mosaic.version = 14 : i64} {
  func.func @_gather_body(%arg0: i32, %arg1: i32, %arg2: memref<16384xi32, #tpu.memory_space<hbm>>, %arg3: memref<1000x128xf32, #tpu.memory_space<hbm>>, %arg4: memref<16384x128xf32, #tpu.memory_space<hbm>>, %arg5: memref<512xi32, #tpu.memory_space<vmem>>, %arg6: memref<256x128xf32, #tpu.memory_space<vmem>>, %arg7: memref<256x128xf32, #tpu.memory_space<vmem>>, %arg8: memref<!tpu.dma_semaphore, #tpu.memory_space<semaphore_mem>>, %arg9: memref<!tpu.dma_semaphore, #tpu.memory_space<semaphore_mem>>) attributes {dimension_semantics = [#tpu.dimension_semantics<core_parallel>, #tpu.dimension_semantics<subcore_parallel>], iteration_bounds = array<i64: 2, 16>, scalar_prefetch = 0 : i64, scratch_operands = 5 : i64, tpu.core_type = #tpu.core_type<sc_vector_subcore>, window_params = [{transform_indices = #map}, {transform_indices = #map1}, {transform_indices = #map1}]} {
    %mul3A = arith.constant 2 : i32
    %mul3A_0 = arith.muli %arg1, %mul3A : i32
    %add3A = arith.addi %mul3A_0, %arg0 : i32
    %mul3A_1 = arith.constant 512 : i32
    %mul3A_2 = arith.muli %add3A, %mul3A_1 : i32
    "tpu.region"() ({
      %run_scoped3A = tpu.sem_alloc : memref<!tpu.dma_semaphore, #tpu.memory_space<semaphore_mem>>
      %dma_start3A_25 = tpu.memref_slice %arg2[%mul3A_2] : memref<16384xi32, #tpu.memory_space<hbm>> -> memref<512xi32, #tpu.memory_space<hbm>>
      %dma_start3A_26 = tpu.memref_slice %arg2[%mul3A_2] : memref<16384xi32, #tpu.memory_space<hbm>> -> memref<512xi32, #tpu.memory_space<hbm>>
      tpu.enqueue_dma source(%dma_start3A_26 : memref<512xi32, #tpu.memory_space<hbm>>) target(%arg5 : memref<512xi32, #tpu.memory_space<vmem>>) target_semaphore(%run_scoped3A : memref<!tpu.dma_semaphore, #tpu.memory_space<semaphore_mem>>)
      %dma_wait3A_27 = tpu.memref_slice %arg2[%mul3A_2] : memref<16384xi32, #tpu.memory_space<hbm>> -> memref<512xi32, #tpu.memory_space<hbm>>
      %dma_wait3A_28 = tpu.memref_slice %arg2[%mul3A_2] : memref<16384xi32, #tpu.memory_space<hbm>> -> memref<512xi32, #tpu.memory_space<hbm>>
      tpu.wait_dma2 semaphore(%run_scoped3A : memref<!tpu.dma_semaphore, #tpu.memory_space<semaphore_mem>>) src(%dma_wait3A_28 : memref<512xi32, #tpu.memory_space<hbm>>) dst(%arg5 : memref<512xi32, #tpu.memory_space<vmem>>)
      tpu.yield
    }) : () -> ()
    %dma_start3A = arith.constant 0 : i32
    %dma_start3A_3 = tpu.memref_slice %arg5[%dma_start3A] : memref<512xi32, #tpu.memory_space<vmem>> -> memref<256xi32, #tpu.memory_space<vmem>>
    %dma_start3A_4 = arith.constant 0 : i32
    %dma_start3A_5 = arith.constant 0 : i32
    %dma_start3A_6 = tpu.memref_slice %arg3[%dma_start3A_4, %dma_start3A_5] : memref<1000x128xf32, #tpu.memory_space<hbm>> -> memref<1000x128xf32, #tpu.memory_space<hbm>>
    tpu.enqueue_indirect_dma source(%dma_start3A_6 : memref<1000x128xf32, #tpu.memory_space<hbm>>) target(%arg6 : memref<256x128xf32, #tpu.memory_space<vmem>>) offsets(%dma_start3A_3 : memref<256xi32, #tpu.memory_space<vmem>>) semaphore(%arg8 : memref<!tpu.dma_semaphore, #tpu.memory_space<semaphore_mem>>)
    %dma_start3A_7 = arith.constant 256 : i32
    %dma_start3A_8 = tpu.memref_slice %arg5[%dma_start3A_7] : memref<512xi32, #tpu.memory_space<vmem>> -> memref<256xi32, #tpu.memory_space<vmem>>
    %dma_start3A_9 = arith.constant 0 : i32
    %dma_start3A_10 = arith.constant 0 : i32
    %dma_start3A_11 = tpu.memref_slice %arg3[%dma_start3A_9, %dma_start3A_10] : memref<1000x128xf32, #tpu.memory_space<hbm>> -> memref<1000x128xf32, #tpu.memory_space<hbm>>
    tpu.enqueue_indirect_dma source(%dma_start3A_11 : memref<1000x128xf32, #tpu.memory_space<hbm>>) target(%arg7 : memref<256x128xf32, #tpu.memory_space<vmem>>) offsets(%dma_start3A_8 : memref<256xi32, #tpu.memory_space<vmem>>) semaphore(%arg9 : memref<!tpu.dma_semaphore, #tpu.memory_space<semaphore_mem>>)
    %dma_wait3A = arith.constant 0 : i32
    %dma_wait3A_12 = tpu.memref_slice %arg5[%dma_wait3A] : memref<512xi32, #tpu.memory_space<vmem>> -> memref<256xi32, #tpu.memory_space<vmem>>
    %dma_wait3A_13 = arith.constant 0 : i32
    %dma_wait3A_14 = arith.constant 0 : i32
    %dma_wait3A_15 = tpu.memref_slice %arg3[%dma_wait3A_13, %dma_wait3A_14] : memref<1000x128xf32, #tpu.memory_space<hbm>> -> memref<1000x128xf32, #tpu.memory_space<hbm>>
    tpu.wait_indirect_dma semaphore(%arg8 : memref<!tpu.dma_semaphore, #tpu.memory_space<semaphore_mem>>) src(%dma_wait3A_15 : memref<1000x128xf32, #tpu.memory_space<hbm>>) dst(%arg6 : memref<256x128xf32, #tpu.memory_space<vmem>>)
    %add3A_16 = arith.constant 0 : i32
    %add3A_17 = arith.addi %mul3A_2, %add3A_16 : i32
    "tpu.region"() ({
      %run_scoped3A = tpu.sem_alloc : memref<!tpu.dma_semaphore, #tpu.memory_space<semaphore_mem>>
      %dma_start3A_25 = arith.constant 0 : i32
      %dma_start3A_26 = tpu.memref_slice %arg4[%add3A_17, %dma_start3A_25] : memref<16384x128xf32, #tpu.memory_space<hbm>> -> memref<256x128xf32, #tpu.memory_space<hbm>>
      %dma_start3A_27 = arith.constant 0 : i32
      %dma_start3A_28 = tpu.memref_slice %arg4[%add3A_17, %dma_start3A_27] : memref<16384x128xf32, #tpu.memory_space<hbm>> -> memref<256x128xf32, #tpu.memory_space<hbm>>
      tpu.enqueue_dma source(%arg6 : memref<256x128xf32, #tpu.memory_space<vmem>>) target(%dma_start3A_28 : memref<256x128xf32, #tpu.memory_space<hbm>>) target_semaphore(%run_scoped3A : memref<!tpu.dma_semaphore, #tpu.memory_space<semaphore_mem>>)
      %dma_wait3A_29 = arith.constant 0 : i32
      %dma_wait3A_30 = tpu.memref_slice %arg4[%add3A_17, %dma_wait3A_29] : memref<16384x128xf32, #tpu.memory_space<hbm>> -> memref<256x128xf32, #tpu.memory_space<hbm>>
      %dma_wait3A_31 = arith.constant 0 : i32
      %dma_wait3A_32 = tpu.memref_slice %arg4[%add3A_17, %dma_wait3A_31] : memref<16384x128xf32, #tpu.memory_space<hbm>> -> memref<256x128xf32, #tpu.memory_space<hbm>>
      tpu.wait_dma2 semaphore(%run_scoped3A : memref<!tpu.dma_semaphore, #tpu.memory_space<semaphore_mem>>) src(%arg6 : memref<256x128xf32, #tpu.memory_space<vmem>>) dst(%dma_wait3A_32 : memref<256x128xf32, #tpu.memory_space<hbm>>)
      tpu.yield
    }) : () -> ()
    %dma_wait3A_18 = arith.constant 256 : i32
    %dma_wait3A_19 = tpu.memref_slice %arg5[%dma_wait3A_18] : memref<512xi32, #tpu.memory_space<vmem>> -> memref<256xi32, #tpu.memory_space<vmem>>
    %dma_wait3A_20 = arith.constant 0 : i32
    %dma_wait3A_21 = arith.constant 0 : i32
    %dma_wait3A_22 = tpu.memref_slice %arg3[%dma_wait3A_20, %dma_wait3A_21] : memref<1000x128xf32, #tpu.memory_space<hbm>> -> memref<1000x128xf32, #tpu.memory_space<hbm>>
    tpu.wait_indirect_dma semaphore(%arg9 : memref<!tpu.dma_semaphore, #tpu.memory_space<semaphore_mem>>) src(%dma_wait3A_22 : memref<1000x128xf32, #tpu.memory_space<hbm>>) dst(%arg7 : memref<256x128xf32, #tpu.memory_space<vmem>>)
    %add3A_23 = arith.constant 256 : i32
    %add3A_24 = arith.addi %mul3A_2, %add3A_23 : i32
    "tpu.region"() ({
      %run_scoped3A = tpu.sem_alloc : memref<!tpu.dma_semaphore, #tpu.memory_space<semaphore_mem>>
      %dma_start3A_25 = arith.constant 0 : i32
      %dma_start3A_26 = tpu.memref_slice %arg4[%add3A_24, %dma_start3A_25] : memref<16384x128xf32, #tpu.memory_space<hbm>> -> memref<256x128xf32, #tpu.memory_space<hbm>>
      %dma_start3A_27 = arith.constant 0 : i32
      %dma_start3A_28 = tpu.memref_slice %arg4[%add3A_24, %dma_start3A_27] : memref<16384x128xf32, #tpu.memory_space<hbm>> -> memref<256x128xf32, #tpu.memory_space<hbm>>
      tpu.enqueue_dma source(%arg7 : memref<256x128xf32, #tpu.memory_space<vmem>>) target(%dma_start3A_28 : memref<256x128xf32, #tpu.memory_space<hbm>>) target_semaphore(%run_scoped3A : memref<!tpu.dma_semaphore, #tpu.memory_space<semaphore_mem>>)
      %dma_wait3A_29 = arith.constant 0 : i32
      %dma_wait3A_30 = tpu.memref_slice %arg4[%add3A_24, %dma_wait3A_29] : memref<16384x128xf32, #tpu.memory_space<hbm>> -> memref<256x128xf32, #tpu.memory_space<hbm>>
      %dma_wait3A_31 = arith.constant 0 : i32
      %dma_wait3A_32 = tpu.memref_slice %arg4[%add3A_24, %dma_wait3A_31] : memref<16384x128xf32, #tpu.memory_space<hbm>> -> memref<256x128xf32, #tpu.memory_space<hbm>>
      tpu.wait_dma2 semaphore(%run_scoped3A : memref<!tpu.dma_semaphore, #tpu.memory_space<semaphore_mem>>) src(%arg7 : memref<256x128xf32, #tpu.memory_space<vmem>>) dst(%dma_wait3A_32 : memref<256x128xf32, #tpu.memory_space<hbm>>)
      tpu.yield
    }) : () -> ()
    return
  }
}

#map = affine_map<(d0, d1) -> (0)>
#map1 = affine_map<(d0, d1) -> (0, 0)>
module attributes {stable_mosaic.version = 14 : i64} {
  func.func @_gather_body(%arg0: i32, %arg1: i32, %arg2: memref<16384xi32, #tpu.memory_space<hbm>>, %arg3: memref<100000x128xf32, #tpu.memory_space<hbm>>, %arg4: memref<16384x128xf32, #tpu.memory_space<hbm>>, %arg5: memref<512xi32, #tpu.memory_space<vmem>>, %arg6: memref<256x128xf32, #tpu.memory_space<vmem>>, %arg7: memref<256x128xf32, #tpu.memory_space<vmem>>, %arg8: memref<!tpu.dma_semaphore, #tpu.memory_space<semaphore_mem>>, %arg9: memref<!tpu.dma_semaphore, #tpu.memory_space<semaphore_mem>>) attributes {dimension_semantics = [#tpu.dimension_semantics<core_parallel>, #tpu.dimension_semantics<subcore_parallel>], iteration_bounds = array<i64: 2, 16>, scalar_prefetch = 0 : i64, scratch_operands = 5 : i64, tpu.core_type = #tpu.core_type<sc_vector_subcore>, window_params = [{transform_indices = #map}, {transform_indices = #map1}, {transform_indices = #map1}]} {
    %mul3A = arith.constant 2 : i32
    %mul3A_0 = arith.muli %arg1, %mul3A : i32
    %add3A = arith.addi %mul3A_0, %arg0 : i32
    %mul3A_1 = arith.constant 512 : i32
    %mul3A_2 = arith.muli %add3A, %mul3A_1 : i32
    "tpu.region"() ({
      %run_scoped3A = tpu.sem_alloc : memref<!tpu.dma_semaphore, #tpu.memory_space<semaphore_mem>>
      %dma_start3A_25 = tpu.memref_slice %arg2[%mul3A_2] : memref<16384xi32, #tpu.memory_space<hbm>> -> memref<512xi32, #tpu.memory_space<hbm>>
      %dma_start3A_26 = tpu.memref_slice %arg2[%mul3A_2] : memref<16384xi32, #tpu.memory_space<hbm>> -> memref<512xi32, #tpu.memory_space<hbm>>
      tpu.enqueue_dma source(%dma_start3A_26 : memref<512xi32, #tpu.memory_space<hbm>>) target(%arg5 : memref<512xi32, #tpu.memory_space<vmem>>) target_semaphore(%run_scoped3A : memref<!tpu.dma_semaphore, #tpu.memory_space<semaphore_mem>>)
      %dma_wait3A_27 = tpu.memref_slice %arg2[%mul3A_2] : memref<16384xi32, #tpu.memory_space<hbm>> -> memref<512xi32, #tpu.memory_space<hbm>>
      %dma_wait3A_28 = tpu.memref_slice %arg2[%mul3A_2] : memref<16384xi32, #tpu.memory_space<hbm>> -> memref<512xi32, #tpu.memory_space<hbm>>
      tpu.wait_dma2 semaphore(%run_scoped3A : memref<!tpu.dma_semaphore, #tpu.memory_space<semaphore_mem>>) src(%dma_wait3A_28 : memref<512xi32, #tpu.memory_space<hbm>>) dst(%arg5 : memref<512xi32, #tpu.memory_space<vmem>>)
      tpu.yield
    }) : () -> ()
    %dma_start3A = arith.constant 0 : i32
    %dma_start3A_3 = tpu.memref_slice %arg5[%dma_start3A] : memref<512xi32, #tpu.memory_space<vmem>> -> memref<256xi32, #tpu.memory_space<vmem>>
    %dma_start3A_4 = arith.constant 0 : i32
    %dma_start3A_5 = arith.constant 0 : i32
    %dma_start3A_6 = tpu.memref_slice %arg3[%dma_start3A_4, %dma_start3A_5] : memref<100000x128xf32, #tpu.memory_space<hbm>> -> memref<100000x128xf32, #tpu.memory_space<hbm>>
    tpu.enqueue_indirect_dma source(%dma_start3A_6 : memref<100000x128xf32, #tpu.memory_space<hbm>>) target(%arg6 : memref<256x128xf32, #tpu.memory_space<vmem>>) offsets(%dma_start3A_3 : memref<256xi32, #tpu.memory_space<vmem>>) semaphore(%arg8 : memref<!tpu.dma_semaphore, #tpu.memory_space<semaphore_mem>>)
    %dma_start3A_7 = arith.constant 256 : i32
    %dma_start3A_8 = tpu.memref_slice %arg5[%dma_start3A_7] : memref<512xi32, #tpu.memory_space<vmem>> -> memref<256xi32, #tpu.memory_space<vmem>>
    %dma_start3A_9 = arith.constant 0 : i32
    %dma_start3A_10 = arith.constant 0 : i32
    %dma_start3A_11 = tpu.memref_slice %arg3[%dma_start3A_9, %dma_start3A_10] : memref<100000x128xf32, #tpu.memory_space<hbm>> -> memref<100000x128xf32, #tpu.memory_space<hbm>>
    tpu.enqueue_indirect_dma source(%dma_start3A_11 : memref<100000x128xf32, #tpu.memory_space<hbm>>) target(%arg7 : memref<256x128xf32, #tpu.memory_space<vmem>>) offsets(%dma_start3A_8 : memref<256xi32, #tpu.memory_space<vmem>>) semaphore(%arg9 : memref<!tpu.dma_semaphore, #tpu.memory_space<semaphore_mem>>)
    %dma_wait3A = arith.constant 0 : i32
    %dma_wait3A_12 = tpu.memref_slice %arg5[%dma_wait3A] : memref<512xi32, #tpu.memory_space<vmem>> -> memref<256xi32, #tpu.memory_space<vmem>>
    %dma_wait3A_13 = arith.constant 0 : i32
    %dma_wait3A_14 = arith.constant 0 : i32
    %dma_wait3A_15 = tpu.memref_slice %arg3[%dma_wait3A_13, %dma_wait3A_14] : memref<100000x128xf32, #tpu.memory_space<hbm>> -> memref<100000x128xf32, #tpu.memory_space<hbm>>
    tpu.wait_indirect_dma semaphore(%arg8 : memref<!tpu.dma_semaphore, #tpu.memory_space<semaphore_mem>>) src(%dma_wait3A_15 : memref<100000x128xf32, #tpu.memory_space<hbm>>) dst(%arg6 : memref<256x128xf32, #tpu.memory_space<vmem>>)
    %add3A_16 = arith.constant 0 : i32
    %add3A_17 = arith.addi %mul3A_2, %add3A_16 : i32
    "tpu.region"() ({
      %run_scoped3A = tpu.sem_alloc : memref<!tpu.dma_semaphore, #tpu.memory_space<semaphore_mem>>
      %dma_start3A_25 = arith.constant 0 : i32
      %dma_start3A_26 = tpu.memref_slice %arg4[%add3A_17, %dma_start3A_25] : memref<16384x128xf32, #tpu.memory_space<hbm>> -> memref<256x128xf32, #tpu.memory_space<hbm>>
      %dma_start3A_27 = arith.constant 0 : i32
      %dma_start3A_28 = tpu.memref_slice %arg4[%add3A_17, %dma_start3A_27] : memref<16384x128xf32, #tpu.memory_space<hbm>> -> memref<256x128xf32, #tpu.memory_space<hbm>>
      tpu.enqueue_dma source(%arg6 : memref<256x128xf32, #tpu.memory_space<vmem>>) target(%dma_start3A_28 : memref<256x128xf32, #tpu.memory_space<hbm>>) target_semaphore(%run_scoped3A : memref<!tpu.dma_semaphore, #tpu.memory_space<semaphore_mem>>)
      %dma_wait3A_29 = arith.constant 0 : i32
      %dma_wait3A_30 = tpu.memref_slice %arg4[%add3A_17, %dma_wait3A_29] : memref<16384x128xf32, #tpu.memory_space<hbm>> -> memref<256x128xf32, #tpu.memory_space<hbm>>
      %dma_wait3A_31 = arith.constant 0 : i32
      %dma_wait3A_32 = tpu.memref_slice %arg4[%add3A_17, %dma_wait3A_31] : memref<16384x128xf32, #tpu.memory_space<hbm>> -> memref<256x128xf32, #tpu.memory_space<hbm>>
      tpu.wait_dma2 semaphore(%run_scoped3A : memref<!tpu.dma_semaphore, #tpu.memory_space<semaphore_mem>>) src(%arg6 : memref<256x128xf32, #tpu.memory_space<vmem>>) dst(%dma_wait3A_32 : memref<256x128xf32, #tpu.memory_space<hbm>>)
      tpu.yield
    }) : () -> ()
    %dma_wait3A_18 = arith.constant 256 : i32
    %dma_wait3A_19 = tpu.memref_slice %arg5[%dma_wait3A_18] : memref<512xi32, #tpu.memory_space<vmem>> -> memref<256xi32, #tpu.memory_space<vmem>>
    %dma_wait3A_20 = arith.constant 0 : i32
    %dma_wait3A_21 = arith.constant 0 : i32
    %dma_wait3A_22 = tpu.memref_slice %arg3[%dma_wait3A_20, %dma_wait3A_21] : memref<100000x128xf32, #tpu.memory_space<hbm>> -> memref<100000x128xf32, #tpu.memory_space<hbm>>
    tpu.wait_indirect_dma semaphore(%arg9 : memref<!tpu.dma_semaphore, #tpu.memory_space<semaphore_mem>>) src(%dma_wait3A_22 : memref<100000x128xf32, #tpu.memory_space<hbm>>) dst(%arg7 : memref<256x128xf32, #tpu.memory_space<vmem>>)
    %add3A_23 = arith.constant 256 : i32
    %add3A_24 = arith.addi %mul3A_2, %add3A_23 : i32
    "tpu.region"() ({
      %run_scoped3A = tpu.sem_alloc : memref<!tpu.dma_semaphore, #tpu.memory_space<semaphore_mem>>
      %dma_start3A_25 = arith.constant 0 : i32
      %dma_start3A_26 = tpu.memref_slice %arg4[%add3A_24, %dma_start3A_25] : memref<16384x128xf32, #tpu.memory_space<hbm>> -> memref<256x128xf32, #tpu.memory_space<hbm>>
      %dma_start3A_27 = arith.constant 0 : i32
      %dma_start3A_28 = tpu.memref_slice %arg4[%add3A_24, %dma_start3A_27] : memref<16384x128xf32, #tpu.memory_space<hbm>> -> memref<256x128xf32, #tpu.memory_space<hbm>>
      tpu.enqueue_dma source(%arg7 : memref<256x128xf32, #tpu.memory_space<vmem>>) target(%dma_start3A_28 : memref<256x128xf32, #tpu.memory_space<hbm>>) target_semaphore(%run_scoped3A : memref<!tpu.dma_semaphore, #tpu.memory_space<semaphore_mem>>)
      %dma_wait3A_29 = arith.constant 0 : i32
      %dma_wait3A_30 = tpu.memref_slice %arg4[%add3A_24, %dma_wait3A_29] : memref<16384x128xf32, #tpu.memory_space<hbm>> -> memref<256x128xf32, #tpu.memory_space<hbm>>
      %dma_wait3A_31 = arith.constant 0 : i32
      %dma_wait3A_32 = tpu.memref_slice %arg4[%add3A_24, %dma_wait3A_31] : memref<16384x128xf32, #tpu.memory_space<hbm>> -> memref<256x128xf32, #tpu.memory_space<hbm>>
      tpu.wait_dma2 semaphore(%run_scoped3A : memref<!tpu.dma_semaphore, #tpu.memory_space<semaphore_mem>>) src(%arg7 : memref<256x128xf32, #tpu.memory_space<vmem>>) dst(%dma_wait3A_32 : memref<256x128xf32, #tpu.memory_space<hbm>>)
      tpu.yield
    }) : () -> ()
    return
  }
}

#map = affine_map<(d0, d1) -> (0)>
#map1 = affine_map<(d0, d1) -> (0, 0)>
module attributes {stable_mosaic.version = 14 : i64} {
  func.func @_gather_body(%arg0: i32, %arg1: i32, %arg2: memref<16384xi32, #tpu.memory_space<hbm>>, %arg3: memref<100000x128xf32, #tpu.memory_space<hbm>>, %arg4: memref<16384x128xf32, #tpu.memory_space<hbm>>, %arg5: memref<512xi32, #tpu.memory_space<vmem>>, %arg6: memref<256x128xf32, #tpu.memory_space<vmem>>, %arg7: memref<256x128xf32, #tpu.memory_space<vmem>>, %arg8: memref<!tpu.dma_semaphore, #tpu.memory_space<semaphore_mem>>, %arg9: memref<!tpu.dma_semaphore, #tpu.memory_space<semaphore_mem>>) attributes {dimension_semantics = [#tpu.dimension_semantics<core_parallel>, #tpu.dimension_semantics<subcore_parallel>], iteration_bounds = array<i64: 2, 16>, scalar_prefetch = 0 : i64, scratch_operands = 5 : i64, tpu.core_type = #tpu.core_type<sc_vector_subcore>, window_params = [{transform_indices = #map}, {transform_indices = #map1}, {transform_indices = #map1}]} {
    %mul3A = arith.constant 2 : i32
    %mul3A_0 = arith.muli %arg1, %mul3A : i32
    %add3A = arith.addi %mul3A_0, %arg0 : i32
    %mul3A_1 = arith.constant 512 : i32
    %mul3A_2 = arith.muli %add3A, %mul3A_1 : i32
    "tpu.region"() ({
      %run_scoped3A = tpu.sem_alloc : memref<!tpu.dma_semaphore, #tpu.memory_space<semaphore_mem>>
      %dma_start3A_25 = tpu.memref_slice %arg2[%mul3A_2] : memref<16384xi32, #tpu.memory_space<hbm>> -> memref<512xi32, #tpu.memory_space<hbm>>
      %dma_start3A_26 = tpu.memref_slice %arg2[%mul3A_2] : memref<16384xi32, #tpu.memory_space<hbm>> -> memref<512xi32, #tpu.memory_space<hbm>>
      tpu.enqueue_dma source(%dma_start3A_26 : memref<512xi32, #tpu.memory_space<hbm>>) target(%arg5 : memref<512xi32, #tpu.memory_space<vmem>>) target_semaphore(%run_scoped3A : memref<!tpu.dma_semaphore, #tpu.memory_space<semaphore_mem>>)
      %dma_wait3A_27 = tpu.memref_slice %arg2[%mul3A_2] : memref<16384xi32, #tpu.memory_space<hbm>> -> memref<512xi32, #tpu.memory_space<hbm>>
      %dma_wait3A_28 = tpu.memref_slice %arg2[%mul3A_2] : memref<16384xi32, #tpu.memory_space<hbm>> -> memref<512xi32, #tpu.memory_space<hbm>>
      tpu.wait_dma2 semaphore(%run_scoped3A : memref<!tpu.dma_semaphore, #tpu.memory_space<semaphore_mem>>) src(%dma_wait3A_28 : memref<512xi32, #tpu.memory_space<hbm>>) dst(%arg5 : memref<512xi32, #tpu.memory_space<vmem>>)
      tpu.yield
    }) : () -> ()
    %dma_start3A = arith.constant 0 : i32
    %dma_start3A_3 = tpu.memref_slice %arg5[%dma_start3A] : memref<512xi32, #tpu.memory_space<vmem>> -> memref<256xi32, #tpu.memory_space<vmem>>
    %dma_start3A_4 = arith.constant 0 : i32
    %dma_start3A_5 = arith.constant 0 : i32
    %dma_start3A_6 = tpu.memref_slice %arg3[%dma_start3A_4, %dma_start3A_5] : memref<100000x128xf32, #tpu.memory_space<hbm>> -> memref<100000x128xf32, #tpu.memory_space<hbm>>
    tpu.enqueue_indirect_dma source(%dma_start3A_6 : memref<100000x128xf32, #tpu.memory_space<hbm>>) target(%arg6 : memref<256x128xf32, #tpu.memory_space<vmem>>) offsets(%dma_start3A_3 : memref<256xi32, #tpu.memory_space<vmem>>) semaphore(%arg8 : memref<!tpu.dma_semaphore, #tpu.memory_space<semaphore_mem>>)
    %dma_start3A_7 = arith.constant 256 : i32
    %dma_start3A_8 = tpu.memref_slice %arg5[%dma_start3A_7] : memref<512xi32, #tpu.memory_space<vmem>> -> memref<256xi32, #tpu.memory_space<vmem>>
    %dma_start3A_9 = arith.constant 0 : i32
    %dma_start3A_10 = arith.constant 0 : i32
    %dma_start3A_11 = tpu.memref_slice %arg3[%dma_start3A_9, %dma_start3A_10] : memref<100000x128xf32, #tpu.memory_space<hbm>> -> memref<100000x128xf32, #tpu.memory_space<hbm>>
    tpu.enqueue_indirect_dma source(%dma_start3A_11 : memref<100000x128xf32, #tpu.memory_space<hbm>>) target(%arg7 : memref<256x128xf32, #tpu.memory_space<vmem>>) offsets(%dma_start3A_8 : memref<256xi32, #tpu.memory_space<vmem>>) semaphore(%arg9 : memref<!tpu.dma_semaphore, #tpu.memory_space<semaphore_mem>>)
    %dma_wait3A = arith.constant 0 : i32
    %dma_wait3A_12 = tpu.memref_slice %arg5[%dma_wait3A] : memref<512xi32, #tpu.memory_space<vmem>> -> memref<256xi32, #tpu.memory_space<vmem>>
    %dma_wait3A_13 = arith.constant 0 : i32
    %dma_wait3A_14 = arith.constant 0 : i32
    %dma_wait3A_15 = tpu.memref_slice %arg3[%dma_wait3A_13, %dma_wait3A_14] : memref<100000x128xf32, #tpu.memory_space<hbm>> -> memref<100000x128xf32, #tpu.memory_space<hbm>>
    tpu.wait_indirect_dma semaphore(%arg8 : memref<!tpu.dma_semaphore, #tpu.memory_space<semaphore_mem>>) src(%dma_wait3A_15 : memref<100000x128xf32, #tpu.memory_space<hbm>>) dst(%arg6 : memref<256x128xf32, #tpu.memory_space<vmem>>)
    %add3A_16 = arith.constant 0 : i32
    %add3A_17 = arith.addi %mul3A_2, %add3A_16 : i32
    "tpu.region"() ({
      %run_scoped3A = tpu.sem_alloc : memref<!tpu.dma_semaphore, #tpu.memory_space<semaphore_mem>>
      %dma_start3A_25 = arith.constant 0 : i32
      %dma_start3A_26 = tpu.memref_slice %arg4[%add3A_17, %dma_start3A_25] : memref<16384x128xf32, #tpu.memory_space<hbm>> -> memref<256x128xf32, #tpu.memory_space<hbm>>
      %dma_start3A_27 = arith.constant 0 : i32
      %dma_start3A_28 = tpu.memref_slice %arg4[%add3A_17, %dma_start3A_27] : memref<16384x128xf32, #tpu.memory_space<hbm>> -> memref<256x128xf32, #tpu.memory_space<hbm>>
      tpu.enqueue_dma source(%arg6 : memref<256x128xf32, #tpu.memory_space<vmem>>) target(%dma_start3A_28 : memref<256x128xf32, #tpu.memory_space<hbm>>) target_semaphore(%run_scoped3A : memref<!tpu.dma_semaphore, #tpu.memory_space<semaphore_mem>>)
      %dma_wait3A_29 = arith.constant 0 : i32
      %dma_wait3A_30 = tpu.memref_slice %arg4[%add3A_17, %dma_wait3A_29] : memref<16384x128xf32, #tpu.memory_space<hbm>> -> memref<256x128xf32, #tpu.memory_space<hbm>>
      %dma_wait3A_31 = arith.constant 0 : i32
      %dma_wait3A_32 = tpu.memref_slice %arg4[%add3A_17, %dma_wait3A_31] : memref<16384x128xf32, #tpu.memory_space<hbm>> -> memref<256x128xf32, #tpu.memory_space<hbm>>
      tpu.wait_dma2 semaphore(%run_scoped3A : memref<!tpu.dma_semaphore, #tpu.memory_space<semaphore_mem>>) src(%arg6 : memref<256x128xf32, #tpu.memory_space<vmem>>) dst(%dma_wait3A_32 : memref<256x128xf32, #tpu.memory_space<hbm>>)
      tpu.yield
    }) : () -> ()
    %dma_wait3A_18 = arith.constant 256 : i32
    %dma_wait3A_19 = tpu.memref_slice %arg5[%dma_wait3A_18] : memref<512xi32, #tpu.memory_space<vmem>> -> memref<256xi32, #tpu.memory_space<vmem>>
    %dma_wait3A_20 = arith.constant 0 : i32
    %dma_wait3A_21 = arith.constant 0 : i32
    %dma_wait3A_22 = tpu.memref_slice %arg3[%dma_wait3A_20, %dma_wait3A_21] : memref<100000x128xf32, #tpu.memory_space<hbm>> -> memref<100000x128xf32, #tpu.memory_space<hbm>>
    tpu.wait_indirect_dma semaphore(%arg9 : memref<!tpu.dma_semaphore, #tpu.memory_space<semaphore_mem>>) src(%dma_wait3A_22 : memref<100000x128xf32, #tpu.memory_space<hbm>>) dst(%arg7 : memref<256x128xf32, #tpu.memory_space<vmem>>)
    %add3A_23 = arith.constant 256 : i32
    %add3A_24 = arith.addi %mul3A_2, %add3A_23 : i32
    "tpu.region"() ({
      %run_scoped3A = tpu.sem_alloc : memref<!tpu.dma_semaphore, #tpu.memory_space<semaphore_mem>>
      %dma_start3A_25 = arith.constant 0 : i32
      %dma_start3A_26 = tpu.memref_slice %arg4[%add3A_24, %dma_start3A_25] : memref<16384x128xf32, #tpu.memory_space<hbm>> -> memref<256x128xf32, #tpu.memory_space<hbm>>
      %dma_start3A_27 = arith.constant 0 : i32
      %dma_start3A_28 = tpu.memref_slice %arg4[%add3A_24, %dma_start3A_27] : memref<16384x128xf32, #tpu.memory_space<hbm>> -> memref<256x128xf32, #tpu.memory_space<hbm>>
      tpu.enqueue_dma source(%arg7 : memref<256x128xf32, #tpu.memory_space<vmem>>) target(%dma_start3A_28 : memref<256x128xf32, #tpu.memory_space<hbm>>) target_semaphore(%run_scoped3A : memref<!tpu.dma_semaphore, #tpu.memory_space<semaphore_mem>>)
      %dma_wait3A_29 = arith.constant 0 : i32
      %dma_wait3A_30 = tpu.memref_slice %arg4[%add3A_24, %dma_wait3A_29] : memref<16384x128xf32, #tpu.memory_space<hbm>> -> memref<256x128xf32, #tpu.memory_space<hbm>>
      %dma_wait3A_31 = arith.constant 0 : i32
      %dma_wait3A_32 = tpu.memref_slice %arg4[%add3A_24, %dma_wait3A_31] : memref<16384x128xf32, #tpu.memory_space<hbm>> -> memref<256x128xf32, #tpu.memory_space<hbm>>
      tpu.wait_dma2 semaphore(%run_scoped3A : memref<!tpu.dma_semaphore, #tpu.memory_space<semaphore_mem>>) src(%arg7 : memref<256x128xf32, #tpu.memory_space<vmem>>) dst(%dma_wait3A_32 : memref<256x128xf32, #tpu.memory_space<hbm>>)
      tpu.yield
    }) : () -> ()
    return
  }
}

#map = affine_map<(d0, d1) -> (0)>
#map1 = affine_map<(d0, d1) -> (0, 0)>
module attributes {stable_mosaic.version = 14 : i64} {
  func.func @_gather_body(%arg0: i32, %arg1: i32, %arg2: memref<16384xi32, #tpu.memory_space<hbm>>, %arg3: memref<100000x128xf32, #tpu.memory_space<hbm>>, %arg4: memref<16384x128xf32, #tpu.memory_space<hbm>>, %arg5: memref<512xi32, #tpu.memory_space<vmem>>, %arg6: memref<256x128xf32, #tpu.memory_space<vmem>>, %arg7: memref<256x128xf32, #tpu.memory_space<vmem>>, %arg8: memref<!tpu.dma_semaphore, #tpu.memory_space<semaphore_mem>>, %arg9: memref<!tpu.dma_semaphore, #tpu.memory_space<semaphore_mem>>) attributes {dimension_semantics = [#tpu.dimension_semantics<core_parallel>, #tpu.dimension_semantics<subcore_parallel>], iteration_bounds = array<i64: 2, 16>, scalar_prefetch = 0 : i64, scratch_operands = 5 : i64, tpu.core_type = #tpu.core_type<sc_vector_subcore>, window_params = [{transform_indices = #map}, {transform_indices = #map1}, {transform_indices = #map1}]} {
    %mul3A = arith.constant 2 : i32
    %mul3A_0 = arith.muli %arg1, %mul3A : i32
    %add3A = arith.addi %mul3A_0, %arg0 : i32
    %mul3A_1 = arith.constant 512 : i32
    %mul3A_2 = arith.muli %add3A, %mul3A_1 : i32
    "tpu.region"() ({
      %run_scoped3A = tpu.sem_alloc : memref<!tpu.dma_semaphore, #tpu.memory_space<semaphore_mem>>
      %dma_start3A_25 = tpu.memref_slice %arg2[%mul3A_2] : memref<16384xi32, #tpu.memory_space<hbm>> -> memref<512xi32, #tpu.memory_space<hbm>>
      %dma_start3A_26 = tpu.memref_slice %arg2[%mul3A_2] : memref<16384xi32, #tpu.memory_space<hbm>> -> memref<512xi32, #tpu.memory_space<hbm>>
      tpu.enqueue_dma source(%dma_start3A_26 : memref<512xi32, #tpu.memory_space<hbm>>) target(%arg5 : memref<512xi32, #tpu.memory_space<vmem>>) target_semaphore(%run_scoped3A : memref<!tpu.dma_semaphore, #tpu.memory_space<semaphore_mem>>)
      %dma_wait3A_27 = tpu.memref_slice %arg2[%mul3A_2] : memref<16384xi32, #tpu.memory_space<hbm>> -> memref<512xi32, #tpu.memory_space<hbm>>
      %dma_wait3A_28 = tpu.memref_slice %arg2[%mul3A_2] : memref<16384xi32, #tpu.memory_space<hbm>> -> memref<512xi32, #tpu.memory_space<hbm>>
      tpu.wait_dma2 semaphore(%run_scoped3A : memref<!tpu.dma_semaphore, #tpu.memory_space<semaphore_mem>>) src(%dma_wait3A_28 : memref<512xi32, #tpu.memory_space<hbm>>) dst(%arg5 : memref<512xi32, #tpu.memory_space<vmem>>)
      tpu.yield
    }) : () -> ()
    %dma_start3A = arith.constant 0 : i32
    %dma_start3A_3 = tpu.memref_slice %arg5[%dma_start3A] : memref<512xi32, #tpu.memory_space<vmem>> -> memref<256xi32, #tpu.memory_space<vmem>>
    %dma_start3A_4 = arith.constant 0 : i32
    %dma_start3A_5 = arith.constant 0 : i32
    %dma_start3A_6 = tpu.memref_slice %arg3[%dma_start3A_4, %dma_start3A_5] : memref<100000x128xf32, #tpu.memory_space<hbm>> -> memref<100000x128xf32, #tpu.memory_space<hbm>>
    tpu.enqueue_indirect_dma source(%dma_start3A_6 : memref<100000x128xf32, #tpu.memory_space<hbm>>) target(%arg6 : memref<256x128xf32, #tpu.memory_space<vmem>>) offsets(%dma_start3A_3 : memref<256xi32, #tpu.memory_space<vmem>>) semaphore(%arg8 : memref<!tpu.dma_semaphore, #tpu.memory_space<semaphore_mem>>)
    %dma_start3A_7 = arith.constant 256 : i32
    %dma_start3A_8 = tpu.memref_slice %arg5[%dma_start3A_7] : memref<512xi32, #tpu.memory_space<vmem>> -> memref<256xi32, #tpu.memory_space<vmem>>
    %dma_start3A_9 = arith.constant 0 : i32
    %dma_start3A_10 = arith.constant 0 : i32
    %dma_start3A_11 = tpu.memref_slice %arg3[%dma_start3A_9, %dma_start3A_10] : memref<100000x128xf32, #tpu.memory_space<hbm>> -> memref<100000x128xf32, #tpu.memory_space<hbm>>
    tpu.enqueue_indirect_dma source(%dma_start3A_11 : memref<100000x128xf32, #tpu.memory_space<hbm>>) target(%arg7 : memref<256x128xf32, #tpu.memory_space<vmem>>) offsets(%dma_start3A_8 : memref<256xi32, #tpu.memory_space<vmem>>) semaphore(%arg9 : memref<!tpu.dma_semaphore, #tpu.memory_space<semaphore_mem>>)
    %dma_wait3A = arith.constant 0 : i32
    %dma_wait3A_12 = tpu.memref_slice %arg5[%dma_wait3A] : memref<512xi32, #tpu.memory_space<vmem>> -> memref<256xi32, #tpu.memory_space<vmem>>
    %dma_wait3A_13 = arith.constant 0 : i32
    %dma_wait3A_14 = arith.constant 0 : i32
    %dma_wait3A_15 = tpu.memref_slice %arg3[%dma_wait3A_13, %dma_wait3A_14] : memref<100000x128xf32, #tpu.memory_space<hbm>> -> memref<100000x128xf32, #tpu.memory_space<hbm>>
    tpu.wait_indirect_dma semaphore(%arg8 : memref<!tpu.dma_semaphore, #tpu.memory_space<semaphore_mem>>) src(%dma_wait3A_15 : memref<100000x128xf32, #tpu.memory_space<hbm>>) dst(%arg6 : memref<256x128xf32, #tpu.memory_space<vmem>>)
    %add3A_16 = arith.constant 0 : i32
    %add3A_17 = arith.addi %mul3A_2, %add3A_16 : i32
    "tpu.region"() ({
      %run_scoped3A = tpu.sem_alloc : memref<!tpu.dma_semaphore, #tpu.memory_space<semaphore_mem>>
      %dma_start3A_25 = arith.constant 0 : i32
      %dma_start3A_26 = tpu.memref_slice %arg4[%add3A_17, %dma_start3A_25] : memref<16384x128xf32, #tpu.memory_space<hbm>> -> memref<256x128xf32, #tpu.memory_space<hbm>>
      %dma_start3A_27 = arith.constant 0 : i32
      %dma_start3A_28 = tpu.memref_slice %arg4[%add3A_17, %dma_start3A_27] : memref<16384x128xf32, #tpu.memory_space<hbm>> -> memref<256x128xf32, #tpu.memory_space<hbm>>
      tpu.enqueue_dma source(%arg6 : memref<256x128xf32, #tpu.memory_space<vmem>>) target(%dma_start3A_28 : memref<256x128xf32, #tpu.memory_space<hbm>>) target_semaphore(%run_scoped3A : memref<!tpu.dma_semaphore, #tpu.memory_space<semaphore_mem>>)
      %dma_wait3A_29 = arith.constant 0 : i32
      %dma_wait3A_30 = tpu.memref_slice %arg4[%add3A_17, %dma_wait3A_29] : memref<16384x128xf32, #tpu.memory_space<hbm>> -> memref<256x128xf32, #tpu.memory_space<hbm>>
      %dma_wait3A_31 = arith.constant 0 : i32
      %dma_wait3A_32 = tpu.memref_slice %arg4[%add3A_17, %dma_wait3A_31] : memref<16384x128xf32, #tpu.memory_space<hbm>> -> memref<256x128xf32, #tpu.memory_space<hbm>>
      tpu.wait_dma2 semaphore(%run_scoped3A : memref<!tpu.dma_semaphore, #tpu.memory_space<semaphore_mem>>) src(%arg6 : memref<256x128xf32, #tpu.memory_space<vmem>>) dst(%dma_wait3A_32 : memref<256x128xf32, #tpu.memory_space<hbm>>)
      tpu.yield
    }) : () -> ()
    %dma_wait3A_18 = arith.constant 256 : i32
    %dma_wait3A_19 = tpu.memref_slice %arg5[%dma_wait3A_18] : memref<512xi32, #tpu.memory_space<vmem>> -> memref<256xi32, #tpu.memory_space<vmem>>
    %dma_wait3A_20 = arith.constant 0 : i32
    %dma_wait3A_21 = arith.constant 0 : i32
    %dma_wait3A_22 = tpu.memref_slice %arg3[%dma_wait3A_20, %dma_wait3A_21] : memref<100000x128xf32, #tpu.memory_space<hbm>> -> memref<100000x128xf32, #tpu.memory_space<hbm>>
    tpu.wait_indirect_dma semaphore(%arg9 : memref<!tpu.dma_semaphore, #tpu.memory_space<semaphore_mem>>) src(%dma_wait3A_22 : memref<100000x128xf32, #tpu.memory_space<hbm>>) dst(%arg7 : memref<256x128xf32, #tpu.memory_space<vmem>>)
    %add3A_23 = arith.constant 256 : i32
    %add3A_24 = arith.addi %mul3A_2, %add3A_23 : i32
    "tpu.region"() ({
      %run_scoped3A = tpu.sem_alloc : memref<!tpu.dma_semaphore, #tpu.memory_space<semaphore_mem>>
      %dma_start3A_25 = arith.constant 0 : i32
      %dma_start3A_26 = tpu.memref_slice %arg4[%add3A_24, %dma_start3A_25] : memref<16384x128xf32, #tpu.memory_space<hbm>> -> memref<256x128xf32, #tpu.memory_space<hbm>>
      %dma_start3A_27 = arith.constant 0 : i32
      %dma_start3A_28 = tpu.memref_slice %arg4[%add3A_24, %dma_start3A_27] : memref<16384x128xf32, #tpu.memory_space<hbm>> -> memref<256x128xf32, #tpu.memory_space<hbm>>
      tpu.enqueue_dma source(%arg7 : memref<256x128xf32, #tpu.memory_space<vmem>>) target(%dma_start3A_28 : memref<256x128xf32, #tpu.memory_space<hbm>>) target_semaphore(%run_scoped3A : memref<!tpu.dma_semaphore, #tpu.memory_space<semaphore_mem>>)
      %dma_wait3A_29 = arith.constant 0 : i32
      %dma_wait3A_30 = tpu.memref_slice %arg4[%add3A_24, %dma_wait3A_29] : memref<16384x128xf32, #tpu.memory_space<hbm>> -> memref<256x128xf32, #tpu.memory_space<hbm>>
      %dma_wait3A_31 = arith.constant 0 : i32
      %dma_wait3A_32 = tpu.memref_slice %arg4[%add3A_24, %dma_wait3A_31] : memref<16384x128xf32, #tpu.memory_space<hbm>> -> memref<256x128xf32, #tpu.memory_space<hbm>>
      tpu.wait_dma2 semaphore(%run_scoped3A : memref<!tpu.dma_semaphore, #tpu.memory_space<semaphore_mem>>) src(%arg7 : memref<256x128xf32, #tpu.memory_space<vmem>>) dst(%dma_wait3A_32 : memref<256x128xf32, #tpu.memory_space<hbm>>)
      tpu.yield
    }) : () -> ()
    return
  }
}

module attributes {stable_mosaic.version = 14 : i64} {
  func.func @_relayout_body(%arg0: i32, %arg1: memref<192x8192xf32, #tpu.memory_space<vmem>>, %arg2: memref<8192x128xf32, #tpu.memory_space<vmem>>) attributes {dimension_semantics = [#tpu.dimension_semantics<arbitrary>], iteration_bounds = array<i64: 1>, scalar_prefetch = 0 : i64, scratch_operands = 0 : i64, tpu.core_type = #tpu.core_type<tc>, window_params = [{transform_indices = @transform_0, window_bounds = array<i64: 192, 8192>}, {transform_indices = @transform_1, window_bounds = array<i64: 8192, 128>}]} {
    %get3A = arith.constant 0 : index
    %get3A_0 = arith.constant 0 : index
    %get3A_1 = vector.load %arg1[%get3A, %get3A_0] : memref<192x8192xf32, #tpu.memory_space<vmem>>, vector<192x8192xf32>
    %transpose3A = tpu.transpose %get3A_1, [1, 0] : vector<192x8192xf32> -> vector<8192x192xf32>
    %slice3A = vector.extract_strided_slice %transpose3A {offsets = [0, 0], sizes = [8192, 128], strides = [1, 1]} : vector<8192x192xf32> to vector<8192x128xf32>
    %convert_element_type3A = arith.truncf %slice3A : vector<8192x128xf32> to vector<8192x128xbf16>
    %convert_element_type3A_2 = arith.extf %convert_element_type3A : vector<8192x128xbf16> to vector<8192x128xf32>
    %bitcast_convert_type3A = tpu.bitcast %convert_element_type3A_2 : vector<8192x128xf32> -> vector<8192x128xi32>
    %slice3A_3 = vector.extract_strided_slice %transpose3A {offsets = [0, 128], sizes = [8192, 64], strides = [1, 1]} : vector<8192x192xf32> to vector<8192x64xf32>
    %broadcast_in_dim3A = arith.constant 0.000000e+00 : f32
    %broadcast_in_dim3A_4 = vector.broadcast %broadcast_in_dim3A : f32 to vector<8192x64xf32>
    %concatenate3A = tpu.concatenate %slice3A_3, %broadcast_in_dim3A_4 in 1 : vector<8192x64xf32>, vector<8192x64xf32> -> vector<8192x128xf32>
    %convert_element_type3A_5 = arith.truncf %concatenate3A : vector<8192x128xf32> to vector<8192x128xbf16>
    %convert_element_type3A_6 = arith.extf %convert_element_type3A_5 : vector<8192x128xbf16> to vector<8192x128xf32>
    %bitcast_convert_type3A_7 = tpu.bitcast %convert_element_type3A_6 : vector<8192x128xf32> -> vector<8192x128xi32>
    %shift_right_logical3A = arith.constant 16 : i32
    %shift_right_logical3A_8 = vector.broadcast %shift_right_logical3A : i32 to vector<8192x128xi32>
    %shift_right_logical3A_9 = arith.shrui %bitcast_convert_type3A, %shift_right_logical3A_8 : vector<8192x128xi32>
    %and3A = arith.constant -65536 : i32
    %and3A_10 = vector.broadcast %and3A : i32 to vector<8192x128xi32>
    %and3A_11 = arith.andi %bitcast_convert_type3A_7, %and3A_10 : vector<8192x128xi32>
    %or3A = arith.ori %shift_right_logical3A_9, %and3A_11 : vector<8192x128xi32>
    %bitcast_convert_type3A_12 = tpu.bitcast %or3A : vector<8192x128xi32> -> vector<8192x128xf32>
    %swap3A = arith.constant 0 : index
    %swap3A_13 = arith.constant 0 : index
    %swap3A_14 = vector.load %arg2[%swap3A, %swap3A_13] : memref<8192x128xf32, #tpu.memory_space<vmem>>, vector<8192x128xf32>
    tpu.vector_store %arg2[%swap3A, %swap3A_13], %bitcast_convert_type3A_12 {strides = array<i32>} : memref<8192x128xf32, #tpu.memory_space<vmem>>, vector<8192x128xf32>,
    return
  }
  func.func @transform_0(%arg0: i32) -> (i32, i32) {
    %c0_i32 = arith.constant 0 : i32
    %c0_i32_0 = arith.constant 0 : i32
    return %c0_i32, %arg0 : i32, i32
  }
  func.func @transform_1(%arg0: i32) -> (i32, i32) {
    %c0_i32 = arith.constant 0 : i32
    %c0_i32_0 = arith.constant 0 : i32
    return %arg0, %c0_i32 : i32, i32
  }
}

module attributes {stable_mosaic.version = 14 : i64} {
  func.func @_mlp_body(%arg0: i32, %arg1: memref<2048x128xf32, #tpu.memory_space<vmem>>, %arg2: memref<2048x128xf32, #tpu.memory_space<vmem>>, %arg3: memref<2048x128xf32, #tpu.memory_space<vmem>>, %arg4: memref<2048x128xf32, #tpu.memory_space<vmem>>, %arg5: memref<768x768xbf16, #tpu.memory_space<vmem>>, %arg6: memref<1x768xf32, #tpu.memory_space<vmem>>, %arg7: memref<768x768xbf16, #tpu.memory_space<vmem>>, %arg8: memref<1x768xf32, #tpu.memory_space<vmem>>, %arg9: memref<2048x768xf32, #tpu.memory_space<vmem>>) attributes {dimension_semantics = [#tpu.dimension_semantics<arbitrary>], iteration_bounds = array<i64: 8>, scalar_prefetch = 0 : i64, scratch_operands = 0 : i64, tpu.core_type = #tpu.core_type<tc>, window_params = [{transform_indices = @transform_0, window_bounds = array<i64: 2048, 128>}, {transform_indices = @transform_1, window_bounds = array<i64: 2048, 128>}, {transform_indices = @transform_2, window_bounds = array<i64: 2048, 128>}, {transform_indices = @transform_3, window_bounds = array<i64: 2048, 128>}, {pipeline_mode = #tpu.pipeline_mode<synchronous>, transform_indices = @transform_4, window_bounds = array<i64: 768, 768>}, {pipeline_mode = #tpu.pipeline_mode<synchronous>, transform_indices = @transform_5, window_bounds = array<i64: 1, 768>}, {pipeline_mode = #tpu.pipeline_mode<synchronous>, transform_indices = @transform_6, window_bounds = array<i64: 768, 768>}, {pipeline_mode = #tpu.pipeline_mode<synchronous>, transform_indices = @transform_7, window_bounds = array<i64: 1, 768>}, {transform_indices = @transform_8, window_bounds = array<i64: 2048, 768>}]} {
    %get3A = arith.constant 0 : index
    %get3A_0 = arith.constant 0 : index
    %get3A_1 = vector.load %arg1[%get3A, %get3A_0] : memref<2048x128xf32, #tpu.memory_space<vmem>>, vector<2048x128xf32>
    %bitcast_convert_type3A = tpu.bitcast %get3A_1 : vector<2048x128xf32> -> vector<2048x128xi32>
    %shift_left3A = arith.constant 16 : i32
    %shift_left3A_2 = vector.broadcast %shift_left3A : i32 to vector<2048x128xi32>
    %shift_left3A_3 = arith.shli %bitcast_convert_type3A, %shift_left3A_2 : vector<2048x128xi32>
    %bitcast_convert_type3A_4 = tpu.bitcast %shift_left3A_3 : vector<2048x128xi32> -> vector<2048x128xf32>
    %and3A = arith.constant -65536 : i32
    %and3A_5 = vector.broadcast %and3A : i32 to vector<2048x128xi32>
    %and3A_6 = arith.andi %bitcast_convert_type3A, %and3A_5 : vector<2048x128xi32>
    %bitcast_convert_type3A_7 = tpu.bitcast %and3A_6 : vector<2048x128xi32> -> vector<2048x128xf32>
    %slice3A = vector.extract_strided_slice %bitcast_convert_type3A_7 {offsets = [0, 0], sizes = [2048, 64], strides = [1, 1]} : vector<2048x128xf32> to vector<2048x64xf32>
    %get3A_8 = arith.constant 0 : index
    %get3A_9 = arith.constant 0 : index
    %get3A_10 = vector.load %arg2[%get3A_8, %get3A_9] : memref<2048x128xf32, #tpu.memory_space<vmem>>, vector<2048x128xf32>
    %bitcast_convert_type3A_11 = tpu.bitcast %get3A_10 : vector<2048x128xf32> -> vector<2048x128xi32>
    %shift_left3A_12 = arith.constant 16 : i32
    %shift_left3A_13 = vector.broadcast %shift_left3A_12 : i32 to vector<2048x128xi32>
    %shift_left3A_14 = arith.shli %bitcast_convert_type3A_11, %shift_left3A_13 : vector<2048x128xi32>
    %bitcast_convert_type3A_15 = tpu.bitcast %shift_left3A_14 : vector<2048x128xi32> -> vector<2048x128xf32>
    %and3A_16 = arith.constant -65536 : i32
    %and3A_17 = vector.broadcast %and3A_16 : i32 to vector<2048x128xi32>
    %and3A_18 = arith.andi %bitcast_convert_type3A_11, %and3A_17 : vector<2048x128xi32>
    %bitcast_convert_type3A_19 = tpu.bitcast %and3A_18 : vector<2048x128xi32> -> vector<2048x128xf32>
    %slice3A_20 = vector.extract_strided_slice %bitcast_convert_type3A_19 {offsets = [0, 0], sizes = [2048, 64], strides = [1, 1]} : vector<2048x128xf32> to vector<2048x64xf32>
    %get3A_21 = arith.constant 0 : index
    %get3A_22 = arith.constant 0 : index
    %get3A_23 = vector.load %arg3[%get3A_21, %get3A_22] : memref<2048x128xf32, #tpu.memory_space<vmem>>, vector<2048x128xf32>
    %bitcast_convert_type3A_24 = tpu.bitcast %get3A_23 : vector<2048x128xf32> -> vector<2048x128xi32>
    %shift_left3A_25 = arith.constant 16 : i32
    %shift_left3A_26 = vector.broadcast %shift_left3A_25 : i32 to vector<2048x128xi32>
    %shift_left3A_27 = arith.shli %bitcast_convert_type3A_24, %shift_left3A_26 : vector<2048x128xi32>
    %bitcast_convert_type3A_28 = tpu.bitcast %shift_left3A_27 : vector<2048x128xi32> -> vector<2048x128xf32>
    %and3A_29 = arith.constant -65536 : i32
    %and3A_30 = vector.broadcast %and3A_29 : i32 to vector<2048x128xi32>
    %and3A_31 = arith.andi %bitcast_convert_type3A_24, %and3A_30 : vector<2048x128xi32>
    %bitcast_convert_type3A_32 = tpu.bitcast %and3A_31 : vector<2048x128xi32> -> vector<2048x128xf32>
    %slice3A_33 = vector.extract_strided_slice %bitcast_convert_type3A_32 {offsets = [0, 0], sizes = [2048, 64], strides = [1, 1]} : vector<2048x128xf32> to vector<2048x64xf32>
    %get3A_34 = arith.constant 0 : index
    %get3A_35 = arith.constant 0 : index
    %get3A_36 = vector.load %arg4[%get3A_34, %get3A_35] : memref<2048x128xf32, #tpu.memory_space<vmem>>, vector<2048x128xf32>
    %bitcast_convert_type3A_37 = tpu.bitcast %get3A_36 : vector<2048x128xf32> -> vector<2048x128xi32>
    %shift_left3A_38 = arith.constant 16 : i32
    %shift_left3A_39 = vector.broadcast %shift_left3A_38 : i32 to vector<2048x128xi32>
    %shift_left3A_40 = arith.shli %bitcast_convert_type3A_37, %shift_left3A_39 : vector<2048x128xi32>
    %bitcast_convert_type3A_41 = tpu.bitcast %shift_left3A_40 : vector<2048x128xi32> -> vector<2048x128xf32>
    %and3A_42 = arith.constant -65536 : i32
    %and3A_43 = vector.broadcast %and3A_42 : i32 to vector<2048x128xi32>
    %and3A_44 = arith.andi %bitcast_convert_type3A_37, %and3A_43 : vector<2048x128xi32>
    %bitcast_convert_type3A_45 = tpu.bitcast %and3A_44 : vector<2048x128xi32> -> vector<2048x128xf32>
    %slice3A_46 = vector.extract_strided_slice %bitcast_convert_type3A_45 {offsets = [0, 0], sizes = [2048, 64], strides = [1, 1]} : vector<2048x128xf32> to vector<2048x64xf32>
    %concatenate3A = tpu.concatenate %bitcast_convert_type3A_4, %slice3A, %bitcast_convert_type3A_15, %slice3A_20, %bitcast_convert_type3A_28, %slice3A_33, %bitcast_convert_type3A_41, %slice3A_46 in 1 : vector<2048x128xf32>, vector<2048x64xf32>, vector<2048x128xf32>, vector<2048x64xf32>, vector<2048x128xf32>, vector<2048x64xf32>, vector<2048x128xf32>, vector<2048x64xf32> -> vector<2048x768xf32>
    %convert_element_type3A = arith.truncf %concatenate3A : vector<2048x768xf32> to vector<2048x768xbf16>
    %get3A_47 = arith.constant 0 : index
    %get3A_48 = arith.constant 0 : index
    %get3A_49 = vector.load %arg5[%get3A_47, %get3A_48] : memref<768x768xbf16, #tpu.memory_space<vmem>>, vector<768x768xbf16>
    %dot_general3A = arith.constant dense<0.000000e+00> : vector<2048x768xf32>
    %dot_general3A_50 = tpu.matmul %convert_element_type3A, %get3A_49, %dot_general3A {dimension_numbers = #tpu.dot_dimension_numbers<[1], [0], [0], [1], [0, 0, 1, 1], [], []>, transpose_lhs_hint = false} : vector<2048x768xbf16>, vector<768x768xbf16>, vector<2048x768xf32> -> vector<2048x768xf32>
    %get3A_51 = arith.constant 0 : index
    %get3A_52 = arith.constant 0 : index
    %get3A_53 = vector.load %arg6[%get3A_51, %get3A_52] : memref<1x768xf32, #tpu.memory_space<vmem>>, vector<1x768xf32>
    %add3A = vector.broadcast %get3A_53 : vector<1x768xf32> to vector<2048x768xf32>
    %add3A_54 = arith.addf %dot_general3A_50, %add3A : vector<2048x768xf32>
    %max3A = arith.constant 0.000000e+00 : f32
    %max3A_55 = vector.broadcast %max3A : f32 to vector<2048x768xf32>
    %max3A_56 = arith.maximumf %add3A_54, %max3A_55 : vector<2048x768xf32>
    %convert_element_type3A_57 = arith.truncf %max3A_56 : vector<2048x768xf32> to vector<2048x768xbf16>
    %get3A_58 = arith.constant 0 : index
    %get3A_59 = arith.constant 0 : index
    %get3A_60 = vector.load %arg7[%get3A_58, %get3A_59] : memref<768x768xbf16, #tpu.memory_space<vmem>>, vector<768x768xbf16>
    %dot_general3A_61 = arith.constant dense<0.000000e+00> : vector<2048x768xf32>
    %dot_general3A_62 = tpu.matmul %convert_element_type3A_57, %get3A_60, %dot_general3A_61 {dimension_numbers = #tpu.dot_dimension_numbers<[1], [0], [0], [1], [0, 0, 1, 1], [], []>, transpose_lhs_hint = false} : vector<2048x768xbf16>, vector<768x768xbf16>, vector<2048x768xf32> -> vector<2048x768xf32>
    %get3A_63 = arith.constant 0 : index
    %get3A_64 = arith.constant 0 : index
    %get3A_65 = vector.load %arg8[%get3A_63, %get3A_64] : memref<1x768xf32, #tpu.memory_space<vmem>>, vector<1x768xf32>
    %add3A_66 = vector.broadcast %get3A_65 : vector<1x768xf32> to vector<2048x768xf32>
    %add3A_67 = arith.addf %dot_general3A_62, %add3A_66 : vector<2048x768xf32>
    %swap3A = arith.constant 0 : index
    %swap3A_68 = arith.constant 0 : index
    %swap3A_69 = vector.load %arg9[%swap3A, %swap3A_68] : memref<2048x768xf32, #tpu.memory_space<vmem>>, vector<2048x768xf32>
    tpu.vector_store %arg9[%swap3A, %swap3A_68], %add3A_67 {strides = array<i32>} : memref<2048x768xf32, #tpu.memory_space<vmem>>, vector<2048x768xf32>,
    return
  }
  func.func @transform_0(%arg0: i32) -> (i32, i32) {
    %c0_i32 = arith.constant 0 : i32
    %c0_i32_0 = arith.constant 0 : i32
    return %arg0, %c0_i32 : i32, i32
  }
  func.func @transform_1(%arg0: i32) -> (i32, i32) {
    %c0_i32 = arith.constant 0 : i32
    %c0_i32_0 = arith.constant 0 : i32
    return %arg0, %c0_i32 : i32, i32
  }
  func.func @transform_2(%arg0: i32) -> (i32, i32) {
    %c0_i32 = arith.constant 0 : i32
    %c0_i32_0 = arith.constant 0 : i32
    return %arg0, %c0_i32 : i32, i32
  }
  func.func @transform_3(%arg0: i32) -> (i32, i32) {
    %c0_i32 = arith.constant 0 : i32
    %c0_i32_0 = arith.constant 0 : i32
    return %arg0, %c0_i32 : i32, i32
  }
  func.func @transform_4(%arg0: i32) -> (i32, i32) {
    %c0_i32 = arith.constant 0 : i32
    %c0_i32_0 = arith.constant 0 : i32
    %c0_i32_1 = arith.constant 0 : i32
    return %c0_i32, %c0_i32_0 : i32, i32
  }
  func.func @transform_5(%arg0: i32) -> (i32, i32) {
    %c0_i32 = arith.constant 0 : i32
    %c0_i32_0 = arith.constant 0 : i32
    %c0_i32_1 = arith.constant 0 : i32
    return %c0_i32, %c0_i32_0 : i32, i32
  }
  func.func @transform_6(%arg0: i32) -> (i32, i32) {
    %c0_i32 = arith.constant 0 : i32
    %c0_i32_0 = arith.constant 0 : i32
    %c0_i32_1 = arith.constant 0 : i32
    return %c0_i32, %c0_i32_0 : i32, i32
  }
  func.func @transform_7(%arg0: i32) -> (i32, i32) {
    %c0_i32 = arith.constant 0 : i32
    %c0_i32_0 = arith.constant 0 : i32
    %c0_i32_1 = arith.constant 0 : i32
    return %c0_i32, %c0_i32_0 : i32, i32
  }
  func.func @transform_8(%arg0: i32) -> (i32, i32) {
    %c0_i32 = arith.constant 0 : i32
    %c0_i32_0 = arith.constant 0 : i32
    return %arg0, %c0_i32 : i32, i32
  }
}

module attributes {stable_mosaic.version = 14 : i64} {
  func.func @_relayout_body(%arg0: i32, %arg1: memref<192x8192xf32, #tpu.memory_space<vmem>>, %arg2: memref<8192x128xf32, #tpu.memory_space<vmem>>) attributes {dimension_semantics = [#tpu.dimension_semantics<arbitrary>], iteration_bounds = array<i64: 13>, scalar_prefetch = 0 : i64, scratch_operands = 0 : i64, tpu.core_type = #tpu.core_type<tc>, window_params = [{transform_indices = @transform_0, window_bounds = array<i64: 192, 8192>}, {transform_indices = @transform_1, window_bounds = array<i64: 8192, 128>}]} {
    %get3A = arith.constant 0 : index
    %get3A_0 = arith.constant 0 : index
    %get3A_1 = vector.load %arg1[%get3A, %get3A_0] : memref<192x8192xf32, #tpu.memory_space<vmem>>, vector<192x8192xf32>
    %transpose3A = tpu.transpose %get3A_1, [1, 0] : vector<192x8192xf32> -> vector<8192x192xf32>
    %slice3A = vector.extract_strided_slice %transpose3A {offsets = [0, 0], sizes = [8192, 128], strides = [1, 1]} : vector<8192x192xf32> to vector<8192x128xf32>
    %convert_element_type3A = arith.truncf %slice3A : vector<8192x128xf32> to vector<8192x128xbf16>
    %convert_element_type3A_2 = arith.extf %convert_element_type3A : vector<8192x128xbf16> to vector<8192x128xf32>
    %bitcast_convert_type3A = tpu.bitcast %convert_element_type3A_2 : vector<8192x128xf32> -> vector<8192x128xi32>
    %slice3A_3 = vector.extract_strided_slice %transpose3A {offsets = [0, 128], sizes = [8192, 64], strides = [1, 1]} : vector<8192x192xf32> to vector<8192x64xf32>
    %broadcast_in_dim3A = arith.constant 0.000000e+00 : f32
    %broadcast_in_dim3A_4 = vector.broadcast %broadcast_in_dim3A : f32 to vector<8192x64xf32>
    %concatenate3A = tpu.concatenate %slice3A_3, %broadcast_in_dim3A_4 in 1 : vector<8192x64xf32>, vector<8192x64xf32> -> vector<8192x128xf32>
    %convert_element_type3A_5 = arith.truncf %concatenate3A : vector<8192x128xf32> to vector<8192x128xbf16>
    %convert_element_type3A_6 = arith.extf %convert_element_type3A_5 : vector<8192x128xbf16> to vector<8192x128xf32>
    %bitcast_convert_type3A_7 = tpu.bitcast %convert_element_type3A_6 : vector<8192x128xf32> -> vector<8192x128xi32>
    %shift_right_logical3A = arith.constant 16 : i32
    %shift_right_logical3A_8 = vector.broadcast %shift_right_logical3A : i32 to vector<8192x128xi32>
    %shift_right_logical3A_9 = arith.shrui %bitcast_convert_type3A, %shift_right_logical3A_8 : vector<8192x128xi32>
    %and3A = arith.constant -65536 : i32
    %and3A_10 = vector.broadcast %and3A : i32 to vector<8192x128xi32>
    %and3A_11 = arith.andi %bitcast_convert_type3A_7, %and3A_10 : vector<8192x128xi32>
    %or3A = arith.ori %shift_right_logical3A_9, %and3A_11 : vector<8192x128xi32>
    %bitcast_convert_type3A_12 = tpu.bitcast %or3A : vector<8192x128xi32> -> vector<8192x128xf32>
    %swap3A = arith.constant 0 : index
    %swap3A_13 = arith.constant 0 : index
    %swap3A_14 = vector.load %arg2[%swap3A, %swap3A_13] : memref<8192x128xf32, #tpu.memory_space<vmem>>, vector<8192x128xf32>
    tpu.vector_store %arg2[%swap3A, %swap3A_13], %bitcast_convert_type3A_12 {strides = array<i32>} : memref<8192x128xf32, #tpu.memory_space<vmem>>, vector<8192x128xf32>,
    return
  }
  func.func @transform_0(%arg0: i32) -> (i32, i32) {
    %c0_i32 = arith.constant 0 : i32
    %c0_i32_0 = arith.constant 0 : i32
    return %c0_i32, %arg0 : i32, i32
  }
  func.func @transform_1(%arg0: i32) -> (i32, i32) {
    %c0_i32 = arith.constant 0 : i32
    %c0_i32_0 = arith.constant 0 : i32
    return %arg0, %c0_i32 : i32, i32
  }
}

</mosaic_0001>

<sc_bundles>
// kernel: kernel.11.cloned.1.call-start
scs
__scs_entry_jumppad:
0x0: {  	(pc) =	sbr.rel $0x88, $3  }
0x1: {  	(tag) =	ssettag $0x0;
	lr =	simm.s32 $0x1  }
0x2: {  	[smem:$0x3F95] =	sst lr;
	_ =	strace $0xD0000000  }
0x3: {  	_ = 	snop  }
0x4: {  	_ = 	snop  }
0x5: {  	_ = 	snop  }
0x6: {  	_ = 	snop  }
0x7: {  	_ = 	snop  }
__scs_overlays_trampoline_lowered:
0x8: {  	[smem:$0x3FA4] =	sst s0  }
0x9: {  	[smem:$0x3FA5] =	sst s1  }
0xa: {  	[smem:$0x3FA6] =	sst s2  }
0xb: {  	[smem:$0x3FA7] =	sst s3  }
0xc: {  	[smem:$0x3FA8] =	sst s4  }
0xd: {  	[smem:$0x3FA9] =	sst s5  }
0xe: {  	[smem:$0x3FAA] =	sst s6  }
0xf: {  	[smem:$0x3FAB] =	sst s7  }
0x10: {  	[smem:$0x3FAC] =	sst s8  }
0x11: {  	[smem:$0x3FAD] =	sst s9;
	s0 =	simm.s32 @!p0 $0x0  }
0x12: {  	s1 =	sld [smem:$0x3F93];
	s0 =	simm.s32 @p0 $0x1  }
0x13: {  	[smem:$0x3FAE] =	sst s0;
	s0 =	simm.s32 @!p1 $0x0  }
0x14: {  	s2 =	sld [smem:$0x3F92];
	s0 =	simm.s32 @p1 $0x1  }
0x15: {  	[smem:$0x3FAF] =	sst s0;
	s0 =	simm.s32 @!p2 $0x0  }
0x16: {  	s3 =	sld [smem:$0x3FDB];
	s0 =	simm.s32 @p2 $0x1  }
0x17: {  	s4 =	simm.s32 $0x1BF5;
	[smem:$0x3FB1] =	sst s0  }
0x18: {  	s0 =	sld [smem:$0x3F94];
	_ =	swait.ge [sflag:s4], $0x0  }
0x19: {  	s7 =	sld [smem:$0x3F95]  }
0x1a: {  	s8 =	sadd.s32 $0xFFFFE003, lr  }
0x1b: {  	s9 =	sadd.s32 $0xFFFFFEF7, lr;
	s5 =	simm.s32 $0xFFFFFFFF;
	p2 =	slt.u32 s8, $0xFFFFF086  }
0x1c: {  	p1 =	slt.u32 s9, $0xF7A;
	s5 =	simm.s32 @!p2 $0x0  }
0x1d: {  	s5 =	simm.s32 @p1 $0x1;
	p0 =	seq.s32 s7, s2  }
0x1e: {  	s7 =	smul.u32 @!p0 $0xF7A, s2;
	p2 =	seq.s32 @!p0 s5, $0x0  }
0x1f: {  	s9 =	smul.u32 $0xF7A, s1;
	s8 =	simm.s32 @!p0 $0x1BF5;
	p2 =	por !p2, p0  }
0x20: {  	[sflag:s8] =	ssyncset.s32 @!p0 $0xFFFFF086;
	s6 =	sadd.s32 @!p0 s3, s7;
	s7 =	simm.s32 @!p0 $0x108  }
0x21: {  	s3 =	sadd.s32 s3, s9;
	s6 =	sadd.s32 @!p0 $0x88, s6;
	s7 =	simm.s32 @p2 $0x1082  }
0x22: {  	[simem:s7], [sflag:s8] =	dma.local @!p0 [hbm:s6], $0xF7A  }
0x23: {  	s9 =	sor.u32 $0xD0000000, s2;
	s6 =	simm.s32 $0x108;
	_ =	swait.ge @!p0 [sflag:s8], $0x0  }
0x24: {  	s3 =	sadd.s32 $0x88, s3;
	s6 =	simm.s32 @!p1 $0x1082;
	[sflag:s4] =	ssyncset.s32 $0xFFFFF086  }
0x25: {  	[simem:s6], [sflag:s4] =	dma.local [hbm:s3], $0xF7A  }
0x26: {  	[smem:$0x3F95] =	sst s1;
	(tag) =	ssettag s2;
	_ =	strace s9  }
0x27: {  	s1 =	sld [smem:$0x3FA5]  }
0x28: {  	s2 =	sld [smem:$0x3FA6]  }
0x29: {  	s4 =	sld [smem:$0x3FA8]  }
0x2a: {  	p0 =	seq.s32 s5, $0x0;
	s5 =	sld [smem:$0x3FA9]  }
0x2b: {  	s6 =	sld [smem:$0x3FAA]  }
0x2c: {  	s7 =	sld [smem:$0x3FAB]  }
0x2d: {  	s3 =	simm.s32 $0x108;
	s8 =	sld [smem:$0x3FAC]  }
0x2e: {  	s3 =	simm.s32 @!p0 $0x1082;
	s9 =	sld [smem:$0x3FAD]  }
0x2f: {  	lr =	sadd.s32 s0, s3;
	s0 =	sld [smem:$0x3FA4]  }
0x30: {  	s3 =	sld [smem:$0x3FA7]  }
0x31: {  	[smem:$0x3FB0] =	sst s10  }
0x32: {  	s10 =	sld [smem:$0x3FAE];
	_ =	sdelay $0x3  }
0x33: {  	p0 =	seq.s32 s10, $0x1;
	s10 =	sld [smem:$0x3FB0];
	_ =	sdelay $0x3  }
0x34: {  	[smem:$0x3FB0] =	sst s10  }
0x35: {  	s10 =	sld [smem:$0x3FAF];
	_ =	sdelay $0x3  }
0x36: {  	p1 =	seq.s32 s10, $0x1;
	s10 =	sld [smem:$0x3FB0];
	_ =	sdelay $0x3  }
0x37: {  	[smem:$0x3FB0] =	sst s10  }
0x38: {  	s10 =	sld [smem:$0x3FB1]  }
0x39: {  	_ = 	snop;
	(pc) =	sbr.ind lr, $3  }
0x3a: {  	_ = 	snop  }
0x3b: {  	_ = 	snop  }
0x3c: {  	p2 =	seq.s32 s10, $0x1;
	s10 =	sld [smem:$0x3FB0]  }
0x3d: {  	_ =	shalt  }
0x3e: {  	_ =	shalt  }
0x3f: {  	_ =	shalt  }
0x40: {  	_ =	shalt  }
0x41: {  	_ =	shalt  }
0x42: {  	_ =	shalt  }
0x43: {  	_ =	shalt  }
0x44: {  	_ =	shalt  }
0x45: {  	_ =	shalt  }
0x46: {  	_ =	shalt  }
0x47: {  	_ =	shalt  }
0x48: {  	_ =	shalt  }
0x49: {  	_ =	shalt  }
0x4a: {  	_ =	shalt  }
0x4b: {  	_ =	shalt  }
0x4c: {  	_ =	shalt  }
0x4d: {  	_ =	shalt  }
0x4e: {  	_ =	shalt  }
0x4f: {  	_ =	shalt  }
0x50: {  	_ =	shalt  }
0x51: {  	_ =	shalt  }
0x52: {  	_ =	shalt  }
0x53: {  	_ =	shalt  }
0x54: {  	_ =	shalt  }
0x55: {  	_ =	shalt  }
0x56: {  	_ =	shalt  }
0x57: {  	_ =	shalt  }
0x58: {  	_ =	shalt  }
0x59: {  	_ =	shalt  }
0x5a: {  	_ =	shalt  }
0x5b: {  	_ =	shalt  }
0x5c: {  	_ =	shalt  }
0x5d: {  	_ =	shalt  }
0x5e: {  	_ =	shalt  }
0x5f: {  	_ =	shalt  }
0x60: {  	_ =	shalt  }
0x61: {  	_ =	shalt  }
0x62: {  	_ =	shalt  }
0x63: {  	_ =	shalt  }
0x64: {  	_ =	shalt  }
0x65: {  	_ =	shalt  }
0x66: {  	_ =	shalt  }
0x67: {  	_ =	shalt  }
0x68: {  	_ =	shalt  }
0x69: {  	_ =	shalt  }
0x6a: {  	_ =	shalt  }
0x6b: {  	_ =	shalt  }
0x6c: {  	_ =	shalt  }
0x6d: {  	_ =	shalt  }
0x6e: {  	_ =	shalt  }
0x6f: {  	_ =	shalt  }
0x70: {  	_ =	shalt  }
0x71: {  	_ =	shalt  }
0x72: {  	_ =	shalt  }
0x73: {  	_ =	shalt  }
0x74: {  	_ =	shalt  }
0x75: {  	_ =	shalt  }
0x76: {  	_ =	shalt  }
0x77: {  	_ =	shalt  }
0x78: {  	_ =	shalt  }
0x79: {  	_ =	shalt  }
0x7a: {  	_ =	shalt  }
0x7b: {  	_ =	shalt  }
0x7c: {  	_ =	shalt  }
0x7d: {  	_ =	shalt  }
0x7e: {  	_ =	shalt  }
0x7f: {  	_ =	shalt  }
0x80: {  	_ =	shalt  }
0x81: {  	_ =	shalt  }
0x82: {  	_ =	shalt  }
0x83: {  	_ =	shalt  }
0x84: {  	_ =	shalt  }
0x85: {  	_ =	shalt  }
0x86: {  	_ =	shalt  }
0x87: {  	_ =	shalt  }
.Lfunc_end0:
.L_simem_size_0:
called_computation_lowered:
.L_overlay_start_0:
0x88: {  	s2 =	sld [smem:$0x3FD9]  }
0x89: {  	s3 =	sld [smem:$0x3FFE];
	_ =	sdelay $0x1  }
0x8a: {  	s1 =	srdreg.scid  }
0x8b: {  	s0 =	sand.u32 $0x1, s1  }
0x8c: {  	s17 =	sshll.u32 s0, $0xA;
	s2 =	sadd.s32 s3, s2  }
0x8d: {  	s2 =	sadd.s32 s2, s17  }
0x8e: {  	[smem:$0x3FBC] =	sst s2  }
0x8f: {  	_ = 	snop  }
0x90: {  	s2 =	sld [smem:$0x3FC9];
	(tm) =	ssettm $0x1  }
0x91: {  	s18 =	sld [smem:$0x3FFB];
	_ =	sdelay $0x3  }
0x92: {  	_ =	strace s18  }
0x93: {  	s3 =	sld [smem:$0x3FFC];
	_ =	sdelay $0x3  }
0x94: {  	_ =	strace s3  }
0x95: {  	s3 =	sld [smem:$0x3FFD];
	_ =	sdelay $0x3  }
0x96: {  	_ =	strace s3  }
0x97: {  	_ =	strace $0x8FFFFFFF  }
0x98: {  	s19 =	sld [smem:$0x3FDB];
	_ =	sdelay $0x1  }
0x99: {  	s4 =	simm.s32 $_scs_section_size  }
0x9a: {  	s5 =	simm.s32 $_size__tile_overlayer_lowered;
	s6 =	simm.s32 $_tile_overlayer_lowered  }
0x9b: {  	s22 =	simm.s32 $0x1BFF;
	s21 =	sshll.u32 s6, $0x1;
	s3 =	sadd.s32 s4, s19  }
0x9c: {  	s7 =	simm.s32 $0x0;
	s20 =	sshll.u32 s5, $0x1;
	s5 =	sadd.s32 s21, s3  }
0x9d: {  	[timem:s7], [sflag:s22] =	dma.local [hbm:s5], s20  }
0x9e: {  	_ =	swait.ge [sflag:s22], s20  }
0x9f: {  	s4 =	ssub.s32 $0x0, s20;
	[sflag:s22] =	ssyncset.done $0x0  }
0xa0: {  	[sflag:s22] =	ssyncadd.s32 s4;
	_ =	sdelay $0x1  }
0xa1: {  	s23 =	simm.s32 $0x1B8B  }
0xa2: {  	_ =	swait.ge [sflag:s23], $0x1  }
0xa3: {  	[sflag:s23] =	ssyncset.done $0x0  }
0xa4: {  	s25 =	simm.s32 $0x1B8E;
	s24 =	sld [smem:$0x3FFE];
	[sflag:s23] =	ssyncadd.s32 $0xFFFFFFFF  }
0xa5: {  	s26 =	simm.s32 $execute0_lowered;
	[smem:$0x3FD2] =	sst s25  }
0xa6: {  	s5 =	sshll.u32 s26, $0x1;
	_ =	strace $0x80000046;
	[dreg:$0x1] =	wrdreg $0xFFFFFFFF  }
0xa7: {  	s28 =	simm.s32 $_size_execute0_lowered;
	s3 =	sadd.s32 s3, s5;
	[dreg:$0x0] =	wrdreg $0x0  }
0xa8: {  	s5 =	sshll.u32 s28, $0x1;
	[dreg:$0x2] =	wrdreg s3  }
0xa9: {  	[dreg:$0x3] =	wrdreg s5  }
0xaa: {  	[dreg:$0x4] =	wrdreg $0xC0  }
0xab: {  	_ =	task [dreg:s7], $0x5FFFF  }
0xac: {  	[dreg:$0x1] =	wrdreg $0xFFFFFFFF  }
0xad: {  	[dreg:$0x0] =	wrdreg $0x60  }
0xae: {  	[dreg:$0x2] =	wrdreg s2  }
0xaf: {  	[dreg:$0x3] =	wrdreg s24  }
0xb0: {  	[dreg:$0x4] =	wrdreg $0x9  }
0xb1: {  	_ =	task.clear_ibuf [dreg:s7], $0x5FFFF;
	_ =	strace $0x90000046  }
0xb2: {  	s29 =	simm.s32 $0x9;
	_ =	strace $0x80000048  }
0xb3: {  	_ =	swait.ge [sflag:s29], $0x1  }
0xb4: {  	[sflag:s29] =	ssyncadd.s32 $0xFFFFFFFF  }
0xb5: {  	_ =	strace $0x90000048  }
0xb6: {  	_ =	sfence  }
0xb7: {  	s30 =	sld [smem:$0x0];
	_ =	sdelay $0x2  }
0xb8: {  	s31 =	sshll.u32 s1, $0xD;
	s1 =	sshrl.u32 s1, $0x2  }
0xb9: {  	s3 =	sand.u32 $0x4000, s31;
	s1 =	sadd.s32 s1, s30  }
0xba: {  	s0 =	sor.u32 s3, s0;
	s1 =	sshll.u32 s1, $0x11  }
0xbb: {  	s0 =	sor.u32 s1, s0  }
0xbc: {  	s0 =	sadd.s32 $0x8F2B, s0  }
0xbd: {  	[sflag:s0] =	ssyncadd.remote.s32 $0x1  }
0xbe: {  	_ =	sfence.sel $0xFFFF  }
0xbf: {  	[dreg:$0x0] =	wrdreg $0xFFFFFFFF;
	(pc) =	sbr.abs _section_cstart, $3  }
0xc0: {  	[dreg:$0x1] =	wrdreg $0xFFFFFFFF  }
0xc1: {  	_ =	task.clear_ibuf [dreg:s7], $0x2FFFF;
	_ =	strace $0x9FFFFFFF  }
0xc2: {  	(tm) =	ssettm $0x7FFFFFFF  }
0xc3: {  	_ =	shalt  }
tec
execute0_lowered:
.L_overlay_start_1:
0x0: {  	(tag) =	ssettag $0x1  }
0x1: {  	s1 =	srdreg.scid  }
0x2: {  	s3 =	rddreg [dreg:$0x0];
	s0 =	stileid.u32;
	s11 =	sand.u32 $0x1, s1  }
0x3: {  	s10 =	rddreg [dreg:$0x1];
	s4 =	sshll.u32 s0, $0xA;
	s5 =	sshll.u32 s11, $0x9  }
0x4: {  	s2 =	simm.s32 $0x0;
	s1 =	rddreg [dreg:$0x2];
	s12 =	sor.u32 s5, s4  }
0x5: {  	[smem:$0x7FF] =	sst s2;
	s4 =	sshrl.u32 s12, $0x3  }
0x6: {  	_ =	strace $0x80000047;
	s4 =	sadd.s32 s3, s4;
	s3 =	simm.s32 $0x3  }
0x7: {  	[tilespmem:s2], [sflag:$0x3] =	stream.linear.gather [hbm4b:s4+s2], $0x200, $0x38;
	[tilespmem:$0x10200] =	vst v63  }
0x8: {  	_ =	swait.ge [sflag:s3], $0x200  }
0x9: {  	s6 =	simm.s32 $0x100;
	[sflag:s3] =	ssyncset.done $0x0  }
0xa: {  	s7 =	simm.s32 $0x200;
	s5 =	sadd.s32 $0x2000, s10;
	[sflag:s3] =	ssyncadd.s32 $0xFFFFFE00  }
0xb: {  	[tilespmem:s7], [sflag:$0x1] =	stream.indirect.gather [hbm4b:s5+s6], $0x80, s2, s6, $0xb8;
	[tilespmem:$0x10200] =	vst v63  }
0xc: {  	s8 =	simm.s32 $0x8200;
	s9 =	simm.s32 $0x1  }
0xd: {  	[tilespmem:s8], [sflag:$0x2] =	stream.indirect.gather [hbm4b:s5+s6], $0x80, s6, s6, $0xb8;
	[tilespmem:$0x10200] =	vst v63  }
0xe: {  	s12 =	sshll.u32 s12, $0x4;
	_ =	swait.ge [sflag:s9], $0x8000  }
0xf: {  	s12 =	sadd.s32 s12, s10;
	[sflag:s9] =	ssyncset.done $0x0  }
0x10: {  	s13 =	ssub.s32 $0x2, s11;
	s10 =	sadd.s32 $0x6000, s12;
	[sflag:s9] =	ssyncadd.s32 $0xFFFF8000  }
0x11: {  	[hbm4b:s10+s2] =	stream.linear.scatter [tilespmem:s7], [sflag:$0x3], $0x8000, $0x38;
	[tilespmem:$0x10200] =	vst v63  }
0x12: {  	s14 =	sshrl.u32 s13, $0x1;
	_ =	swait.ge [sflag:s3], $0x8000  }
0x13: {  	s13 =	ssub.s32 s13, s14;
	[sflag:s3] =	ssyncset.done $0x0  }
0x14: {  	s11 =	simm.s32 $0x2;
	s13 =	smax.u32 s13, $0x1;
	[sflag:s3] =	ssyncadd.s32 $0xFFFF8000  }
0x15: {  	p0 =	sne.s32 s13, $0x1;
	_ =	swait.ge [sflag:s11], $0x8000  }
.Ltmp0:
0x16: {  	[sflag:s11] =	ssyncset.done $0x0;
	(pc) =	sbr.rel @!p0 .LBB2_2-.Ltmp0, $4  }
0x17: {  	s12 =	sadd.s32 $0x7000, s12;
	[sflag:s11] =	ssyncadd.s32 $0xFFFF8000  }
0x18: {  	[hbm4b:s12+s2] =	stream.linear.scatter [tilespmem:s8], [sflag:$0x3], $0x8000, $0x38;
	[tilespmem:$0x10200] =	vst v63  }
0x19: {  	_ =	swait.ge [sflag:s3], $0x8000  }
0x1a: {  	s13 =	sadd.s32 $0xFFFFFFFF, s13;
	[sflag:s3] =	ssyncset.done $0x0  }
.LBB2_1:
0x1b: {  	p0 =	sne.s32 s13, $0x1;
	s13 =	sadd.s32 $0xFFFFFFFF, s13;
	[sflag:s3] =	ssyncadd.s32 $0xFFFF8000  }
0x1c: {  	[tilespmem:s2], [sflag:$0x3] =	stream.linear.gather [hbm4b:s4+s2], $0x200, $0x38;
	[tilespmem:$0x10200] =	vst v63  }
0x1d: {  	_ =	swait.ge [sflag:s3], $0x200  }
0x1e: {  	[sflag:s3] =	ssyncset.done $0x0  }
0x1f: {  	[sflag:s3] =	ssyncadd.s32 $0xFFFFFE00  }
0x20: {  	[tilespmem:s7], [sflag:$0x1] =	stream.indirect.gather [hbm4b:s5+s6], $0x80, s2, s6, $0xb8;
	[tilespmem:$0x10200] =	vst v63  }
0x21: {  	_ = 	snop  }
0x22: {  	[tilespmem:s8], [sflag:$0x2] =	stream.indirect.gather [hbm4b:s5+s6], $0x80, s6, s6, $0xb8;
	[tilespmem:$0x10200] =	vst v63  }
0x23: {  	_ =	swait.ge [sflag:s9], $0x8000  }
0x24: {  	[sflag:s9] =	ssyncset.done $0x0  }
0x25: {  	[sflag:s9] =	ssyncadd.s32 $0xFFFF8000  }
0x26: {  	[hbm4b:s10+s2] =	stream.linear.scatter [tilespmem:s7], [sflag:$0x3], $0x8000, $0x38;
	[tilespmem:$0x10200] =	vst v63  }
0x27: {  	_ =	swait.ge [sflag:s3], $0x8000  }
0x28: {  	[sflag:s3] =	ssyncset.done $0x0  }
0x29: {  	[sflag:s3] =	ssyncadd.s32 $0xFFFF8000  }
0x2a: {  	_ =	swait.ge [sflag:s11], $0x8000  }
.Ltmp1:
0x2b: {  	[sflag:s11] =	ssyncset.done $0x0;
	(pc) =	sbr.rel @p0 .LBB2_1-.Ltmp1, $4  }
0x2c: {  	[sflag:s11] =	ssyncadd.s32 $0xFFFF8000  }
0x2d: {  	[hbm4b:s12+s2] =	stream.linear.scatter [tilespmem:s8], [sflag:$0x3], $0x8000, $0x38;
	[tilespmem:$0x10200] =	vst v63  }
0x2e: {  	_ =	swait.ge [sflag:s3], $0x8000  }
0x2f: {  	[sflag:s3] =	ssyncset.done $0x0  }
.LBB2_2:
0x30: {  	[sflag:s3] =	ssyncadd.s32 $0xFFFF8000  }
0x31: {  	_ =	sfence.sel $0x180000  }
0x32: {  	[bflag:$0x0] =	sbarrier.arrive $0xFFFF  }
0x33: {  	p0 =	sne.s32 s0, $0x0;
	_ =	strace $0x90000047  }
0x34: {  	s0 =	sadd.s32 @!p0 $0x100000, s1;
	[bflag:$0x2] =	sbarrier.arrive $0xFFFF  }
0x35: {  	[sflag:s0] =	ssyncadd.tile.s32 @!p0 $0x1;
	_ =	shalt  }
.Lfunc_end2:
_tile_overlayer_lowered:
.L_overlay_start_2:
0x36: {  	(tag) =	ssettag $0x2  }
0x37: {  	s0 =	rddreg [dreg:$0x0];
	s2 =	stileid.u32  }
0x38: {  	s1 =	rddreg [dreg:$0x1];
	p0 =	sne.s32 s2, $0x0  }
0x39: {  	s3 =	rddreg [dreg:$0x2];
	[bflag:$0x3] =	sbarrier.arrive $0xFFFF;
	s2 =	simm.s32 @!p0 $0x1C03  }
0x3a: {  	[timem:s3], [sflag:s2] =	dma.local @!p0 [hbm:s0], s1  }
0x3b: {  	s0 =	simm.s32 @!p0 $0x3  }
0x3c: {  	_ =	swait.ge @!p0 [sflag:s0], s1  }
0x3d: {  	s1 =	ssub.s32 @!p0 $0x0, s1;
	[sflag:s0] =	ssyncset.done @!p0 $0x0  }
0x3e: {  	[sflag:s0] =	ssyncadd.s32 @!p0 s1  }
0x3f: {  	[bflag:$0x3] =	sbarrier.arrive $0xFFFF  }
0x40: {  	_ =	shalt  }

// kernel: kernel.14.cloned.1.call-start
scs
__scs_entry_jumppad:
0x0: {  	(pc) =	sbr.rel $0x88, $3  }
0x1: {  	(tag) =	ssettag $0x0;
	lr =	simm.s32 $0x1  }
0x2: {  	[smem:$0x3F95] =	sst lr;
	_ =	strace $0xD0000000  }
0x3: {  	_ = 	snop  }
0x4: {  	_ = 	snop  }
0x5: {  	_ = 	snop  }
0x6: {  	_ = 	snop  }
0x7: {  	_ = 	snop  }
__scs_overlays_trampoline_lowered:
0x8: {  	[smem:$0x3FA4] =	sst s0  }
0x9: {  	[smem:$0x3FA5] =	sst s1  }
0xa: {  	[smem:$0x3FA6] =	sst s2  }
0xb: {  	[smem:$0x3FA7] =	sst s3  }
0xc: {  	[smem:$0x3FA8] =	sst s4  }
0xd: {  	[smem:$0x3FA9] =	sst s5  }
0xe: {  	[smem:$0x3FAA] =	sst s6  }
0xf: {  	[smem:$0x3FAB] =	sst s7  }
0x10: {  	[smem:$0x3FAC] =	sst s8  }
0x11: {  	[smem:$0x3FAD] =	sst s9;
	s0 =	simm.s32 @!p0 $0x0  }
0x12: {  	s1 =	sld [smem:$0x3F93];
	s0 =	simm.s32 @p0 $0x1  }
0x13: {  	[smem:$0x3FAE] =	sst s0;
	s0 =	simm.s32 @!p1 $0x0  }
0x14: {  	s2 =	sld [smem:$0x3F92];
	s0 =	simm.s32 @p1 $0x1  }
0x15: {  	[smem:$0x3FAF] =	sst s0;
	s0 =	simm.s32 @!p2 $0x0  }
0x16: {  	s3 =	sld [smem:$0x3FDB];
	s0 =	simm.s32 @p2 $0x1  }
0x17: {  	s4 =	simm.s32 $0x1BF5;
	[smem:$0x3FB1] =	sst s0  }
0x18: {  	s0 =	sld [smem:$0x3F94];
	_ =	swait.ge [sflag:s4], $0x0  }
0x19: {  	s7 =	sld [smem:$0x3F95]  }
0x1a: {  	s8 =	sadd.s32 $0xFFFFE003, lr  }
0x1b: {  	s9 =	sadd.s32 $0xFFFFFEF7, lr;
	s5 =	simm.s32 $0xFFFFFFFF;
	p2 =	slt.u32 s8, $0xFFFFF086  }
0x1c: {  	p1 =	slt.u32 s9, $0xF7A;
	s5 =	simm.s32 @!p2 $0x0  }
0x1d: {  	s5 =	simm.s32 @p1 $0x1;
	p0 =	seq.s32 s7, s2  }
0x1e: {  	s7 =	smul.u32 @!p0 $0xF7A, s2;
	p2 =	seq.s32 @!p0 s5, $0x0  }
0x1f: {  	s9 =	smul.u32 $0xF7A, s1;
	s8 =	simm.s32 @!p0 $0x1BF5;
	p2 =	por !p2, p0  }
0x20: {  	[sflag:s8] =	ssyncset.s32 @!p0 $0xFFFFF086;
	s6 =	sadd.s32 @!p0 s3, s7;
	s7 =	simm.s32 @!p0 $0x108  }
0x21: {  	s3 =	sadd.s32 s3, s9;
	s6 =	sadd.s32 @!p0 $0x88, s6;
	s7 =	simm.s32 @p2 $0x1082  }
0x22: {  	[simem:s7], [sflag:s8] =	dma.local @!p0 [hbm:s6], $0xF7A  }
0x23: {  	s9 =	sor.u32 $0xD0000000, s2;
	s6 =	simm.s32 $0x108;
	_ =	swait.ge @!p0 [sflag:s8], $0x0  }
0x24: {  	s3 =	sadd.s32 $0x88, s3;
	s6 =	simm.s32 @!p1 $0x1082;
	[sflag:s4] =	ssyncset.s32 $0xFFFFF086  }
0x25: {  	[simem:s6], [sflag:s4] =	dma.local [hbm:s3], $0xF7A  }
0x26: {  	[smem:$0x3F95] =	sst s1;
	(tag) =	ssettag s2;
	_ =	strace s9  }
0x27: {  	s1 =	sld [smem:$0x3FA5]  }
0x28: {  	s2 =	sld [smem:$0x3FA6]  }
0x29: {  	s4 =	sld [smem:$0x3FA8]  }
0x2a: {  	p0 =	seq.s32 s5, $0x0;
	s5 =	sld [smem:$0x3FA9]  }
0x2b: {  	s6 =	sld [smem:$0x3FAA]  }
0x2c: {  	s7 =	sld [smem:$0x3FAB]  }
0x2d: {  	s3 =	simm.s32 $0x108;
	s8 =	sld [smem:$0x3FAC]  }
0x2e: {  	s3 =	simm.s32 @!p0 $0x1082;
	s9 =	sld [smem:$0x3FAD]  }
0x2f: {  	lr =	sadd.s32 s0, s3;
	s0 =	sld [smem:$0x3FA4]  }
0x30: {  	s3 =	sld [smem:$0x3FA7]  }
0x31: {  	[smem:$0x3FB0] =	sst s10  }
0x32: {  	s10 =	sld [smem:$0x3FAE];
	_ =	sdelay $0x3  }
0x33: {  	p0 =	seq.s32 s10, $0x1;
	s10 =	sld [smem:$0x3FB0];
	_ =	sdelay $0x3  }
0x34: {  	[smem:$0x3FB0] =	sst s10  }
0x35: {  	s10 =	sld [smem:$0x3FAF];
	_ =	sdelay $0x3  }
0x36: {  	p1 =	seq.s32 s10, $0x1;
	s10 =	sld [smem:$0x3FB0];
	_ =	sdelay $0x3  }
0x37: {  	[smem:$0x3FB0] =	sst s10  }
0x38: {  	s10 =	sld [smem:$0x3FB1]  }
0x39: {  	_ = 	snop;
	(pc) =	sbr.ind lr, $3  }
0x3a: {  	_ = 	snop  }
0x3b: {  	_ = 	snop  }
0x3c: {  	p2 =	seq.s32 s10, $0x1;
	s10 =	sld [smem:$0x3FB0]  }
0x3d: {  	_ =	shalt  }
0x3e: {  	_ =	shalt  }
0x3f: {  	_ =	shalt  }
0x40: {  	_ =	shalt  }
0x41: {  	_ =	shalt  }
0x42: {  	_ =	shalt  }
0x43: {  	_ =	shalt  }
0x44: {  	_ =	shalt  }
0x45: {  	_ =	shalt  }
0x46: {  	_ =	shalt  }
0x47: {  	_ =	shalt  }
0x48: {  	_ =	shalt  }
0x49: {  	_ =	shalt  }
0x4a: {  	_ =	shalt  }
0x4b: {  	_ =	shalt  }
0x4c: {  	_ =	shalt  }
0x4d: {  	_ =	shalt  }
0x4e: {  	_ =	shalt  }
0x4f: {  	_ =	shalt  }
0x50: {  	_ =	shalt  }
0x51: {  	_ =	shalt  }
0x52: {  	_ =	shalt  }
0x53: {  	_ =	shalt  }
0x54: {  	_ =	shalt  }
0x55: {  	_ =	shalt  }
0x56: {  	_ =	shalt  }
0x57: {  	_ =	shalt  }
0x58: {  	_ =	shalt  }
0x59: {  	_ =	shalt  }
0x5a: {  	_ =	shalt  }
0x5b: {  	_ =	shalt  }
0x5c: {  	_ =	shalt  }
0x5d: {  	_ =	shalt  }
0x5e: {  	_ =	shalt  }
0x5f: {  	_ =	shalt  }
0x60: {  	_ =	shalt  }
0x61: {  	_ =	shalt  }
0x62: {  	_ =	shalt  }
0x63: {  	_ =	shalt  }
0x64: {  	_ =	shalt  }
0x65: {  	_ =	shalt  }
0x66: {  	_ =	shalt  }
0x67: {  	_ =	shalt  }
0x68: {  	_ =	shalt  }
0x69: {  	_ =	shalt  }
0x6a: {  	_ =	shalt  }
0x6b: {  	_ =	shalt  }
0x6c: {  	_ =	shalt  }
0x6d: {  	_ =	shalt  }
0x6e: {  	_ =	shalt  }
0x6f: {  	_ =	shalt  }
0x70: {  	_ =	shalt  }
0x71: {  	_ =	shalt  }
0x72: {  	_ =	shalt  }
0x73: {  	_ =	shalt  }
0x74: {  	_ =	shalt  }
0x75: {  	_ =	shalt  }
0x76: {  	_ =	shalt  }
0x77: {  	_ =	shalt  }
0x78: {  	_ =	shalt  }
0x79: {  	_ =	shalt  }
0x7a: {  	_ =	shalt  }
0x7b: {  	_ =	shalt  }
0x7c: {  	_ =	shalt  }
0x7d: {  	_ =	shalt  }
0x7e: {  	_ =	shalt  }
0x7f: {  	_ =	shalt  }
0x80: {  	_ =	shalt  }
0x81: {  	_ =	shalt  }
0x82: {  	_ =	shalt  }
0x83: {  	_ =	shalt  }
0x84: {  	_ =	shalt  }
0x85: {  	_ =	shalt  }
0x86: {  	_ =	shalt  }
0x87: {  	_ =	shalt  }
.Lfunc_end0:
.L_simem_size_0:
called_computation.1_lowered:
.L_overlay_start_0:
0x88: {  	s2 =	sld [smem:$0x3FD9]  }
0x89: {  	s3 =	sld [smem:$0x3FFE];
	_ =	sdelay $0x1  }
0x8a: {  	s1 =	srdreg.scid  }
0x8b: {  	s0 =	sand.u32 $0x1, s1  }
0x8c: {  	s17 =	sshll.u32 s0, $0xA;
	s2 =	sadd.s32 s3, s2  }
0x8d: {  	s2 =	sadd.s32 s2, s17  }
0x8e: {  	[smem:$0x3FBC] =	sst s2  }
0x8f: {  	_ = 	snop  }
0x90: {  	s4 =	sld [smem:$0x3FC8]  }
0x91: {  	s18 =	sld [smem:$0x3FD0];
	(tm) =	ssettm $0x1  }
0x92: {  	s19 =	sld [smem:$0x3FFB];
	_ =	sdelay $0x3  }
0x93: {  	_ =	strace s19  }
0x94: {  	s2 =	sld [smem:$0x3FFC];
	_ =	sdelay $0x3  }
0x95: {  	_ =	strace s2  }
0x96: {  	s2 =	sld [smem:$0x3FFD];
	_ =	sdelay $0x3  }
0x97: {  	_ =	strace s2  }
0x98: {  	_ =	strace $0x8FFFFFFF  }
0x99: {  	s20 =	sld [smem:$0x3FDB];
	_ =	sdelay $0x1  }
0x9a: {  	s5 =	simm.s32 $_scs_section_size  }
0x9b: {  	s6 =	simm.s32 $_size__tile_overlayer_lowered;
	s7 =	simm.s32 $_tile_overlayer_lowered  }
0x9c: {  	s8 =	simm.s32 $0x1BFF;
	s21 =	sshll.u32 s7, $0x1;
	s5 =	sadd.s32 s5, s20  }
0x9d: {  	s22 =	simm.s32 $0x0;
	s6 =	sshll.u32 s6, $0x1;
	s7 =	sadd.s32 s21, s5  }
0x9e: {  	[timem:s22], [sflag:s8] =	dma.local [hbm:s7], s6  }
0x9f: {  	_ =	swait.ge [sflag:s8], s6  }
0xa0: {  	s6 =	ssub.s32 $0x0, s6;
	[sflag:s8] =	ssyncset.done $0x0  }
0xa1: {  	[sflag:s8] =	ssyncadd.s32 s6;
	_ =	sdelay $0x1  }
0xa2: {  	s23 =	simm.s32 $0x1B8B  }
0xa3: {  	_ =	swait.ge [sflag:s23], $0x1  }
0xa4: {  	[sflag:s23] =	ssyncset.done $0x0  }
0xa5: {  	[sflag:s23] =	ssyncadd.s32 $0xFFFFFFFF  }
0xa6: {  	s6 =	sld [smem:$0x0]  }
0xa7: {  	s7 =	sand.u32 $0xFFFFFFFE, s1  }
0xa8: {  	p0 =	sne.s32 s1, s7  }
0xa9: {  	s7 =	sshll.u32 @p0 s7, $0xE  }
0xaa: {  	s7 =	sadd.s32 @p0 $0x11B8D, s7;
	s8 =	sshll.u32 @p0 s6, $0x11  }
0xab: {  	s7 =	sor.u32 @p0 s8, s7  }
0xac: {  	[sflag:s7] =	ssyncadd.remote.s32 @p0 $0x1;
	_ =	sdelay $0x1  }
0xad: {  	s7 =	simm.s32 @p0 $0x1B8D  }
0xae: {  	_ =	swait.eq @p0 [sflag:s7], $0x1  }
0xaf: {  	[sflag:s7] =	ssyncadd.s32 @p0 $0xFFFFFFFF  }
0xb0: {  	s8 =	sshll.u32 @!p0 s1, $0xE  }
0xb1: {  	s8 =	sor.u32 @!p0 $0x4000, s8;
	s7 =	simm.s32 @!p0 $0x1B8D  }
0xb2: {  	s6 =	sshll.u32 @!p0 s6, $0x11;
	s8 =	sadd.s32 @!p0 $0x11B8D, s8;
	_ =	swait.eq @!p0 [sflag:s7], $0x1  }
0xb3: {  	s6 =	sor.u32 @!p0 s6, s8;
	[sflag:s7] =	ssyncadd.s32 @!p0 $0xFFFFFFFF  }
0xb4: {  	s25 =	simm.s32 $0x1B8E;
	s24 =	sld [smem:$0x3FFE];
	[sflag:s6] =	ssyncadd.remote.s32 @!p0 $0x1  }
0xb5: {  	s26 =	simm.s32 $execute0_lowered;
	[smem:$0x3FD2] =	sst s25  }
0xb6: {  	s7 =	sshll.u32 s26, $0x1;
	_ =	strace $0x80000049;
	[dreg:$0x1] =	wrdreg $0xFFFFFFFF  }
0xb7: {  	s28 =	simm.s32 $_size_execute0_lowered;
	s5 =	sadd.s32 s5, s7;
	[dreg:$0x0] =	wrdreg $0x0  }
0xb8: {  	s7 =	sshll.u32 s28, $0x1;
	[dreg:$0x2] =	wrdreg s5  }
0xb9: {  	[dreg:$0x3] =	wrdreg s7  }
0xba: {  	[dreg:$0x4] =	wrdreg $0xC0  }
0xbb: {  	_ =	task [dreg:s22], $0x5FFFF  }
0xbc: {  	[dreg:$0x1] =	wrdreg $0xFFFFFFFF  }
0xbd: {  	[dreg:$0x0] =	wrdreg $0x60  }
0xbe: {  	[dreg:$0x2] =	wrdreg s4  }
0xbf: {  	[dreg:$0x3] =	wrdreg s24  }
0xc0: {  	[dreg:$0x4] =	wrdreg s18  }
0xc1: {  	[dreg:$0x5] =	wrdreg $0xA  }
0xc2: {  	_ =	task.clear_ibuf [dreg:s22], $0x6FFFF;
	_ =	strace $0x90000049  }
0xc3: {  	s29 =	simm.s32 $0xA;
	_ =	strace $0x8000004B  }
0xc4: {  	_ =	swait.ge [sflag:s29], $0x1  }
0xc5: {  	[sflag:s29] =	ssyncadd.s32 $0xFFFFFFFF  }
0xc6: {  	_ =	strace $0x9000004B  }
0xc7: {  	_ =	sfence  }
0xc8: {  	s30 =	sld [smem:$0x0];
	_ =	sdelay $0x2  }
0xc9: {  	s31 =	sshll.u32 s1, $0xD;
	s1 =	sshrl.u32 s1, $0x2  }
0xca: {  	s4 =	sand.u32 $0x4000, s31;
	s1 =	sadd.s32 s1, s30  }
0xcb: {  	s0 =	sor.u32 s4, s0;
	s1 =	sshll.u32 s1, $0x11  }
0xcc: {  	s0 =	sor.u32 s1, s0  }
0xcd: {  	s0 =	sadd.s32 $0x8F2B, s0  }
0xce: {  	[sflag:s0] =	ssyncadd.remote.s32 $0x1  }
0xcf: {  	_ =	sfence.sel $0xFFFF  }
0xd0: {  	[dreg:$0x0] =	wrdreg $0xFFFFFFFF;
	(pc) =	sbr.abs _section_cstart, $3  }
0xd1: {  	[dreg:$0x1] =	wrdreg $0xFFFFFFFF  }
0xd2: {  	_ =	task.clear_ibuf [dreg:s22], $0x2FFFF;
	_ =	strace $0x9FFFFFFF  }
0xd3: {  	(tm) =	ssettm $0x7FFFFFFF  }
tec
execute0_lowered:
.L_overlay_start_1:
0x0: {  	(tag) =	ssettag $0x1  }
0x1: {  	s3 =	rddreg [dreg:$0x0];
	s1 =	srdreg.scid  }
0x2: {  	s5 =	rddreg [dreg:$0x1];
	s0 =	stileid.u32;
	s11 =	sand.u32 $0x1, s1  }
0x3: {  	s10 =	rddreg [dreg:$0x2];
	s4 =	sshll.u32 s0, $0xA;
	s6 =	sshll.u32 s11, $0x9  }
0x4: {  	s2 =	simm.s32 $0x0;
	s1 =	rddreg [dreg:$0x3];
	s12 =	sor.u32 s6, s4  }
0x5: {  	[smem:$0x7FF] =	sst s2;
	s4 =	sshrl.u32 s12, $0x3  }
0x6: {  	_ =	strace $0x8000004A;
	s4 =	sadd.s32 s3, s4;
	s3 =	simm.s32 $0x3  }
0x7: {  	[tilespmem:s2], [sflag:$0x3] =	stream.linear.gather [hbm4b:s4+s2], $0x200, $0x38;
	[tilespmem:$0x10200] =	vst v63  }
0x8: {  	_ =	swait.ge [sflag:s3], $0x200  }
0x9: {  	s7 =	simm.s32 $0x200;
	[sflag:s3] =	ssyncset.done $0x0  }
0xa: {  	s5 =	sadd.s32 $0x46000, s5;
	s6 =	simm.s32 $0x100;
	[sflag:s3] =	ssyncadd.s32 $0xFFFFFE00  }
0xb: {  	[tilespmem:s7], [sflag:$0x1] =	stream.indirect.gather [hbm4b:s5+s6], $0x80, s2, s6, $0xb8;
	[tilespmem:$0x10200] =	vst v63  }
0xc: {  	s8 =	simm.s32 $0x8200;
	s9 =	simm.s32 $0x1  }
0xd: {  	[tilespmem:s8], [sflag:$0x2] =	stream.indirect.gather [hbm4b:s5+s6], $0x80, s6, s6, $0xb8;
	[tilespmem:$0x10200] =	vst v63  }
0xe: {  	_ =	swait.ge [sflag:s9], $0x8000  }
0xf: {  	s12 =	sshll.u32 s12, $0x4;
	[sflag:s9] =	ssyncset.done $0x0  }
0x10: {  	s31 =	ssub.s32 $0x2, s11;
	s10 =	sadd.s32 s10, s12;
	[sflag:s9] =	ssyncadd.s32 $0xFFFF8000  }
0x11: {  	[hbm4b:s10+s2] =	stream.linear.scatter [tilespmem:s7], [sflag:$0x3], $0x8000, $0x38;
	[tilespmem:$0x10200] =	vst v63  }
0x12: {  	s13 =	sshrl.u32 s31, $0x1;
	_ =	swait.ge [sflag:s3], $0x8000  }
0x13: {  	s13 =	ssub.s32 s31, s13;
	[sflag:s3] =	ssyncset.done $0x0  }
0x14: {  	s11 =	simm.s32 $0x2;
	s13 =	smax.u32 s13, $0x1;
	[sflag:s3] =	ssyncadd.s32 $0xFFFF8000  }
0x15: {  	p0 =	sne.s32 s13, $0x1;
	_ =	swait.ge [sflag:s11], $0x8000  }
.Ltmp0:
0x16: {  	[sflag:s11] =	ssyncset.done $0x0;
	(pc) =	sbr.rel @!p0 .LBB2_2-.Ltmp0, $4  }
0x17: {  	s12 =	sadd.s32 $0x1000, s10;
	[sflag:s11] =	ssyncadd.s32 $0xFFFF8000  }
0x18: {  	[hbm4b:s12+s2] =	stream.linear.scatter [tilespmem:s8], [sflag:$0x3], $0x8000, $0x38;
	[tilespmem:$0x10200] =	vst v63  }
0x19: {  	_ =	swait.ge [sflag:s3], $0x8000  }
0x1a: {  	s13 =	sadd.s32 $0xFFFFFFFF, s13;
	[sflag:s3] =	ssyncset.done $0x0  }
.LBB2_1:
0x1b: {  	p0 =	sne.s32 s13, $0x1;
	s13 =	sadd.s32 $0xFFFFFFFF, s13;
	[sflag:s3] =	ssyncadd.s32 $0xFFFF8000  }
0x1c: {  	[tilespmem:s2], [sflag:$0x3] =	stream.linear.gather [hbm4b:s4+s2], $0x200, $0x38;
	[tilespmem:$0x10200] =	vst v63  }
0x1d: {  	_ =	swait.ge [sflag:s3], $0x200  }
0x1e: {  	[sflag:s3] =	ssyncset.done $0x0  }
0x1f: {  	[sflag:s3] =	ssyncadd.s32 $0xFFFFFE00  }
0x20: {  	[tilespmem:s7], [sflag:$0x1] =	stream.indirect.gather [hbm4b:s5+s6], $0x80, s2, s6, $0xb8;
	[tilespmem:$0x10200] =	vst v63  }
0x21: {  	_ = 	snop  }
0x22: {  	[tilespmem:s8], [sflag:$0x2] =	stream.indirect.gather [hbm4b:s5+s6], $0x80, s6, s6, $0xb8;
	[tilespmem:$0x10200] =	vst v63  }
0x23: {  	_ =	swait.ge [sflag:s9], $0x8000  }
0x24: {  	[sflag:s9] =	ssyncset.done $0x0  }
0x25: {  	[sflag:s9] =	ssyncadd.s32 $0xFFFF8000  }
0x26: {  	[hbm4b:s10+s2] =	stream.linear.scatter [tilespmem:s7], [sflag:$0x3], $0x8000, $0x38;
	[tilespmem:$0x10200] =	vst v63  }
0x27: {  	_ =	swait.ge [sflag:s3], $0x8000  }
0x28: {  	[sflag:s3] =	ssyncset.done $0x0  }
0x29: {  	[sflag:s3] =	ssyncadd.s32 $0xFFFF8000  }
0x2a: {  	_ =	swait.ge [sflag:s11], $0x8000  }
.Ltmp1:
0x2b: {  	[sflag:s11] =	ssyncset.done $0x0;
	(pc) =	sbr.rel @p0 .LBB2_1-.Ltmp1, $4  }
0x2c: {  	[sflag:s11] =	ssyncadd.s32 $0xFFFF8000  }
0x2d: {  	[hbm4b:s12+s2] =	stream.linear.scatter [tilespmem:s8], [sflag:$0x3], $0x8000, $0x38;
	[tilespmem:$0x10200] =	vst v63  }
0x2e: {  	_ =	swait.ge [sflag:s3], $0x8000  }
0x2f: {  	[sflag:s3] =	ssyncset.done $0x0  }
.LBB2_2:
0x30: {  	[sflag:s3] =	ssyncadd.s32 $0xFFFF8000  }
0x31: {  	_ =	sfence.sel $0x180000  }
0x32: {  	[bflag:$0x0] =	sbarrier.arrive $0xFFFF  }
0x33: {  	p0 =	sne.s32 s0, $0x0;
	_ =	strace $0x9000004A  }
0x34: {  	s0 =	sadd.s32 @!p0 $0x100000, s1;
	[bflag:$0x2] =	sbarrier.arrive $0xFFFF  }
0x35: {  	[sflag:s0] =	ssyncadd.tile.s32 @!p0 $0x1;
	_ =	shalt  }
.Lfunc_end2:
_tile_overlayer_lowered:
.L_overlay_start_2:
0x36: {  	(tag) =	ssettag $0x2  }
0x37: {  	s0 =	rddreg [dreg:$0x0];
	s2 =	stileid.u32  }
0x38: {  	s1 =	rddreg [dreg:$0x1];
	p0 =	sne.s32 s2, $0x0  }
0x39: {  	s3 =	rddreg [dreg:$0x2];
	[bflag:$0x3] =	sbarrier.arrive $0xFFFF;
	s2 =	simm.s32 @!p0 $0x1C03  }
0x3a: {  	[timem:s3], [sflag:s2] =	dma.local @!p0 [hbm:s0], s1  }
0x3b: {  	s0 =	simm.s32 @!p0 $0x3  }
0x3c: {  	_ =	swait.ge @!p0 [sflag:s0], s1  }
0x3d: {  	s1 =	ssub.s32 @!p0 $0x0, s1;
	[sflag:s0] =	ssyncset.done @!p0 $0x0  }
0x3e: {  	[sflag:s0] =	ssyncadd.s32 @!p0 s1  }
0x3f: {  	[bflag:$0x3] =	sbarrier.arrive $0xFFFF  }
0x40: {  	_ =	shalt  }

// kernel: kernel.17.cloned.1.call-start
scs
__scs_entry_jumppad:
0x0: {  	(pc) =	sbr.rel $0x88, $3  }
0x1: {  	(tag) =	ssettag $0x0;
	lr =	simm.s32 $0x1  }
0x2: {  	[smem:$0x3F95] =	sst lr;
	_ =	strace $0xD0000000  }
0x3: {  	_ = 	snop  }
0x4: {  	_ = 	snop  }
0x5: {  	_ = 	snop  }
0x6: {  	_ = 	snop  }
0x7: {  	_ = 	snop  }
__scs_overlays_trampoline_lowered:
0x8: {  	[smem:$0x3FA4] =	sst s0  }
0x9: {  	[smem:$0x3FA5] =	sst s1  }
0xa: {  	[smem:$0x3FA6] =	sst s2  }
0xb: {  	[smem:$0x3FA7] =	sst s3  }
0xc: {  	[smem:$0x3FA8] =	sst s4  }
0xd: {  	[smem:$0x3FA9] =	sst s5  }
0xe: {  	[smem:$0x3FAA] =	sst s6  }
0xf: {  	[smem:$0x3FAB] =	sst s7  }
0x10: {  	[smem:$0x3FAC] =	sst s8  }
0x11: {  	[smem:$0x3FAD] =	sst s9;
	s0 =	simm.s32 @!p0 $0x0  }
0x12: {  	s1 =	sld [smem:$0x3F93];
	s0 =	simm.s32 @p0 $0x1  }
0x13: {  	[smem:$0x3FAE] =	sst s0;
	s0 =	simm.s32 @!p1 $0x0  }
0x14: {  	s2 =	sld [smem:$0x3F92];
	s0 =	simm.s32 @p1 $0x1  }
0x15: {  	[smem:$0x3FAF] =	sst s0;
	s0 =	simm.s32 @!p2 $0x0  }
0x16: {  	s3 =	sld [smem:$0x3FDB];
	s0 =	simm.s32 @p2 $0x1  }
0x17: {  	s4 =	simm.s32 $0x1BF5;
	[smem:$0x3FB1] =	sst s0  }
0x18: {  	s0 =	sld [smem:$0x3F94];
	_ =	swait.ge [sflag:s4], $0x0  }
0x19: {  	s7 =	sld [smem:$0x3F95]  }
0x1a: {  	s8 =	sadd.s32 $0xFFFFE003, lr  }
0x1b: {  	s9 =	sadd.s32 $0xFFFFFEF7, lr;
	s5 =	simm.s32 $0xFFFFFFFF;
	p2 =	slt.u32 s8, $0xFFFFF086  }
0x1c: {  	p1 =	slt.u32 s9, $0xF7A;
	s5 =	simm.s32 @!p2 $0x0  }
0x1d: {  	s5 =	simm.s32 @p1 $0x1;
	p0 =	seq.s32 s7, s2  }
0x1e: {  	s7 =	smul.u32 @!p0 $0xF7A, s2;
	p2 =	seq.s32 @!p0 s5, $0x0  }
0x1f: {  	s9 =	smul.u32 $0xF7A, s1;
	s8 =	simm.s32 @!p0 $0x1BF5;
	p2 =	por !p2, p0  }
0x20: {  	[sflag:s8] =	ssyncset.s32 @!p0 $0xFFFFF086;
	s6 =	sadd.s32 @!p0 s3, s7;
	s7 =	simm.s32 @!p0 $0x108  }
0x21: {  	s3 =	sadd.s32 s3, s9;
	s6 =	sadd.s32 @!p0 $0x88, s6;
	s7 =	simm.s32 @p2 $0x1082  }
0x22: {  	[simem:s7], [sflag:s8] =	dma.local @!p0 [hbm:s6], $0xF7A  }
0x23: {  	s9 =	sor.u32 $0xD0000000, s2;
	s6 =	simm.s32 $0x108;
	_ =	swait.ge @!p0 [sflag:s8], $0x0  }
0x24: {  	s3 =	sadd.s32 $0x88, s3;
	s6 =	simm.s32 @!p1 $0x1082;
	[sflag:s4] =	ssyncset.s32 $0xFFFFF086  }
0x25: {  	[simem:s6], [sflag:s4] =	dma.local [hbm:s3], $0xF7A  }
0x26: {  	[smem:$0x3F95] =	sst s1;
	(tag) =	ssettag s2;
	_ =	strace s9  }
0x27: {  	s1 =	sld [smem:$0x3FA5]  }
0x28: {  	s2 =	sld [smem:$0x3FA6]  }
0x29: {  	s4 =	sld [smem:$0x3FA8]  }
0x2a: {  	p0 =	seq.s32 s5, $0x0;
	s5 =	sld [smem:$0x3FA9]  }
0x2b: {  	s6 =	sld [smem:$0x3FAA]  }
0x2c: {  	s7 =	sld [smem:$0x3FAB]  }
0x2d: {  	s3 =	simm.s32 $0x108;
	s8 =	sld [smem:$0x3FAC]  }
0x2e: {  	s3 =	simm.s32 @!p0 $0x1082;
	s9 =	sld [smem:$0x3FAD]  }
0x2f: {  	lr =	sadd.s32 s0, s3;
	s0 =	sld [smem:$0x3FA4]  }
0x30: {  	s3 =	sld [smem:$0x3FA7]  }
0x31: {  	[smem:$0x3FB0] =	sst s10  }
0x32: {  	s10 =	sld [smem:$0x3FAE];
	_ =	sdelay $0x3  }
0x33: {  	p0 =	seq.s32 s10, $0x1;
	s10 =	sld [smem:$0x3FB0];
	_ =	sdelay $0x3  }
0x34: {  	[smem:$0x3FB0] =	sst s10  }
0x35: {  	s10 =	sld [smem:$0x3FAF];
	_ =	sdelay $0x3  }
0x36: {  	p1 =	seq.s32 s10, $0x1;
	s10 =	sld [smem:$0x3FB0];
	_ =	sdelay $0x3  }
0x37: {  	[smem:$0x3FB0] =	sst s10  }
0x38: {  	s10 =	sld [smem:$0x3FB1]  }
0x39: {  	_ = 	snop;
	(pc) =	sbr.ind lr, $3  }
0x3a: {  	_ = 	snop  }
0x3b: {  	_ = 	snop  }
0x3c: {  	p2 =	seq.s32 s10, $0x1;
	s10 =	sld [smem:$0x3FB0]  }
0x3d: {  	_ =	shalt  }
0x3e: {  	_ =	shalt  }
0x3f: {  	_ =	shalt  }
0x40: {  	_ =	shalt  }
0x41: {  	_ =	shalt  }
0x42: {  	_ =	shalt  }
0x43: {  	_ =	shalt  }
0x44: {  	_ =	shalt  }
0x45: {  	_ =	shalt  }
0x46: {  	_ =	shalt  }
0x47: {  	_ =	shalt  }
0x48: {  	_ =	shalt  }
0x49: {  	_ =	shalt  }
0x4a: {  	_ =	shalt  }
0x4b: {  	_ =	shalt  }
0x4c: {  	_ =	shalt  }
0x4d: {  	_ =	shalt  }
0x4e: {  	_ =	shalt  }
0x4f: {  	_ =	shalt  }
0x50: {  	_ =	shalt  }
0x51: {  	_ =	shalt  }
0x52: {  	_ =	shalt  }
0x53: {  	_ =	shalt  }
0x54: {  	_ =	shalt  }
0x55: {  	_ =	shalt  }
0x56: {  	_ =	shalt  }
0x57: {  	_ =	shalt  }
0x58: {  	_ =	shalt  }
0x59: {  	_ =	shalt  }
0x5a: {  	_ =	shalt  }
0x5b: {  	_ =	shalt  }
0x5c: {  	_ =	shalt  }
0x5d: {  	_ =	shalt  }
0x5e: {  	_ =	shalt  }
0x5f: {  	_ =	shalt  }
0x60: {  	_ =	shalt  }
0x61: {  	_ =	shalt  }
0x62: {  	_ =	shalt  }
0x63: {  	_ =	shalt  }
0x64: {  	_ =	shalt  }
0x65: {  	_ =	shalt  }
0x66: {  	_ =	shalt  }
0x67: {  	_ =	shalt  }
0x68: {  	_ =	shalt  }
0x69: {  	_ =	shalt  }
0x6a: {  	_ =	shalt  }
0x6b: {  	_ =	shalt  }
0x6c: {  	_ =	shalt  }
0x6d: {  	_ =	shalt  }
0x6e: {  	_ =	shalt  }
0x6f: {  	_ =	shalt  }
0x70: {  	_ =	shalt  }
0x71: {  	_ =	shalt  }
0x72: {  	_ =	shalt  }
0x73: {  	_ =	shalt  }
0x74: {  	_ =	shalt  }
0x75: {  	_ =	shalt  }
0x76: {  	_ =	shalt  }
0x77: {  	_ =	shalt  }
0x78: {  	_ =	shalt  }
0x79: {  	_ =	shalt  }
0x7a: {  	_ =	shalt  }
0x7b: {  	_ =	shalt  }
0x7c: {  	_ =	shalt  }
0x7d: {  	_ =	shalt  }
0x7e: {  	_ =	shalt  }
0x7f: {  	_ =	shalt  }
0x80: {  	_ =	shalt  }
0x81: {  	_ =	shalt  }
0x82: {  	_ =	shalt  }
0x83: {  	_ =	shalt  }
0x84: {  	_ =	shalt  }
0x85: {  	_ =	shalt  }
0x86: {  	_ =	shalt  }
0x87: {  	_ =	shalt  }
.Lfunc_end0:
.L_simem_size_0:
called_computation.2_lowered:
.L_overlay_start_0:
0x88: {  	s2 =	sld [smem:$0x3FD9]  }
0x89: {  	s3 =	sld [smem:$0x3FFE];
	_ =	sdelay $0x1  }
0x8a: {  	s1 =	srdreg.scid  }
0x8b: {  	s0 =	sand.u32 $0x1, s1  }
0x8c: {  	s17 =	sshll.u32 s0, $0xA;
	s2 =	sadd.s32 s3, s2  }
0x8d: {  	s2 =	sadd.s32 s2, s17  }
0x8e: {  	[smem:$0x3FBC] =	sst s2  }
0x8f: {  	_ = 	snop  }
0x90: {  	s18 =	sld [smem:$0x3FC7];
	(tm) =	ssettm $0x1  }
0x91: {  	s19 =	sld [smem:$0x3FFB];
	_ =	sdelay $0x3  }
0x92: {  	_ =	strace s19  }
0x93: {  	s2 =	sld [smem:$0x3FFC];
	_ =	sdelay $0x3  }
0x94: {  	_ =	strace s2  }
0x95: {  	s2 =	sld [smem:$0x3FFD];
	_ =	sdelay $0x3  }
0x96: {  	_ =	strace s2  }
0x97: {  	_ =	strace $0x8FFFFFFF  }
0x98: {  	s20 =	sld [smem:$0x3FDB];
	_ =	sdelay $0x1  }
0x99: {  	s4 =	simm.s32 $_scs_section_size  }
0x9a: {  	s5 =	simm.s32 $_size__tile_overlayer_lowered;
	s6 =	simm.s32 $_tile_overlayer_lowered  }
0x9b: {  	s7 =	simm.s32 $0x1BFF;
	s21 =	sshll.u32 s6, $0x1;
	s4 =	sadd.s32 s4, s20  }
0x9c: {  	s22 =	simm.s32 $0x0;
	s5 =	sshll.u32 s5, $0x1;
	s6 =	sadd.s32 s21, s4  }
0x9d: {  	[timem:s22], [sflag:s7] =	dma.local [hbm:s6], s5  }
0x9e: {  	_ =	swait.ge [sflag:s7], s5  }
0x9f: {  	s5 =	ssub.s32 $0x0, s5;
	[sflag:s7] =	ssyncset.done $0x0  }
0xa0: {  	[sflag:s7] =	ssyncadd.s32 s5;
	_ =	sdelay $0x1  }
0xa1: {  	s23 =	simm.s32 $0x1B8B  }
0xa2: {  	_ =	swait.ge [sflag:s23], $0x1  }
0xa3: {  	[sflag:s23] =	ssyncset.done $0x0  }
0xa4: {  	[sflag:s23] =	ssyncadd.s32 $0xFFFFFFFF  }
0xa5: {  	s5 =	sld [smem:$0x0]  }
0xa6: {  	s6 =	sand.u32 $0xFFFFFFFE, s1  }
0xa7: {  	p0 =	sne.s32 s1, s6  }
0xa8: {  	s6 =	sshll.u32 @p0 s6, $0xE  }
0xa9: {  	s6 =	sadd.s32 @p0 $0x11B8D, s6;
	s7 =	sshll.u32 @p0 s5, $0x11  }
0xaa: {  	s6 =	sor.u32 @p0 s7, s6  }
0xab: {  	[sflag:s6] =	ssyncadd.remote.s32 @p0 $0x1;
	_ =	sdelay $0x1  }
0xac: {  	s6 =	simm.s32 @p0 $0x1B8D  }
0xad: {  	_ =	swait.eq @p0 [sflag:s6], $0x1  }
0xae: {  	[sflag:s6] =	ssyncadd.s32 @p0 $0xFFFFFFFF  }
0xaf: {  	s7 =	sshll.u32 @!p0 s1, $0xE  }
0xb0: {  	s7 =	sor.u32 @!p0 $0x4000, s7;
	s6 =	simm.s32 @!p0 $0x1B8D  }
0xb1: {  	s5 =	sshll.u32 @!p0 s5, $0x11;
	s7 =	sadd.s32 @!p0 $0x11B8D, s7;
	_ =	swait.eq @!p0 [sflag:s6], $0x1  }
0xb2: {  	s5 =	sor.u32 @!p0 s5, s7;
	[sflag:s6] =	ssyncadd.s32 @!p0 $0xFFFFFFFF  }
0xb3: {  	s25 =	simm.s32 $0x1B8E;
	s24 =	sld [smem:$0x3FFE];
	[sflag:s5] =	ssyncadd.remote.s32 @!p0 $0x1  }
0xb4: {  	s26 =	simm.s32 $execute0_lowered;
	[smem:$0x3FD2] =	sst s25  }
0xb5: {  	s6 =	sshll.u32 s26, $0x1;
	_ =	strace $0x8000004C;
	[dreg:$0x1] =	wrdreg $0xFFFFFFFF  }
0xb6: {  	s28 =	simm.s32 $_size_execute0_lowered;
	s4 =	sadd.s32 s4, s6;
	[dreg:$0x0] =	wrdreg $0x0  }
0xb7: {  	s6 =	sshll.u32 s28, $0x1;
	[dreg:$0x2] =	wrdreg s4  }
0xb8: {  	[dreg:$0x3] =	wrdreg s6  }
0xb9: {  	[dreg:$0x4] =	wrdreg $0xC0  }
0xba: {  	_ =	task [dreg:s22], $0x5FFFF  }
0xbb: {  	[dreg:$0x1] =	wrdreg $0xFFFFFFFF  }
0xbc: {  	[dreg:$0x0] =	wrdreg $0x60  }
0xbd: {  	[dreg:$0x2] =	wrdreg s18  }
0xbe: {  	[dreg:$0x3] =	wrdreg s24  }
0xbf: {  	[dreg:$0x4] =	wrdreg $0xB  }
0xc0: {  	_ =	task.clear_ibuf [dreg:s22], $0x5FFFF;
	_ =	strace $0x9000004C  }
0xc1: {  	s29 =	simm.s32 $0xB;
	_ =	strace $0x8000004E  }
0xc2: {  	_ =	swait.ge [sflag:s29], $0x1  }
0xc3: {  	[sflag:s29] =	ssyncadd.s32 $0xFFFFFFFF  }
0xc4: {  	_ =	strace $0x9000004E  }
0xc5: {  	_ =	sfence  }
0xc6: {  	s30 =	sld [smem:$0x0];
	_ =	sdelay $0x2  }
0xc7: {  	s31 =	sshll.u32 s1, $0xD;
	s1 =	sshrl.u32 s1, $0x2  }
0xc8: {  	s4 =	sand.u32 $0x4000, s31;
	s1 =	sadd.s32 s1, s30  }
0xc9: {  	s0 =	sor.u32 s4, s0;
	s1 =	sshll.u32 s1, $0x11  }
0xca: {  	s0 =	sor.u32 s1, s0  }
0xcb: {  	s0 =	sadd.s32 $0x8F2B, s0  }
0xcc: {  	[sflag:s0] =	ssyncadd.remote.s32 $0x1  }
0xcd: {  	_ =	sfence.sel $0xFFFF  }
0xce: {  	[dreg:$0x0] =	wrdreg $0xFFFFFFFF;
	(pc) =	sbr.abs _section_cstart, $3  }
0xcf: {  	[dreg:$0x1] =	wrdreg $0xFFFFFFFF  }
0xd0: {  	_ =	task.clear_ibuf [dreg:s22], $0x2FFFF;
	_ =	strace $0x9FFFFFFF  }
0xd1: {  	(tm) =	ssettm $0x7FFFFFFF  }
tec
execute0_lowered:
.L_overlay_start_1:
0x0: {  	(tag) =	ssettag $0x1  }
0x1: {  	s1 =	srdreg.scid  }
0x2: {  	s3 =	rddreg [dreg:$0x0];
	s0 =	stileid.u32;
	s11 =	sand.u32 $0x1, s1  }
0x3: {  	s10 =	rddreg [dreg:$0x1];
	s4 =	sshll.u32 s0, $0xA;
	s5 =	sshll.u32 s11, $0x9  }
0x4: {  	s2 =	simm.s32 $0x0;
	s1 =	rddreg [dreg:$0x2];
	s12 =	sor.u32 s5, s4  }
0x5: {  	[smem:$0x7FF] =	sst s2;
	s4 =	sshrl.u32 s12, $0x3  }
0x6: {  	_ =	strace $0x8000004D;
	s4 =	sadd.s32 s3, s4;
	s3 =	simm.s32 $0x3  }
0x7: {  	[tilespmem:s2], [sflag:$0x3] =	stream.linear.gather [hbm4b:s4+s2], $0x200, $0x38;
	[tilespmem:$0x10200] =	vst v63  }
0x8: {  	_ =	swait.ge [sflag:s3], $0x200  }
0x9: {  	s6 =	simm.s32 $0x100;
	[sflag:s3] =	ssyncset.done $0x0  }
0xa: {  	s7 =	simm.s32 $0x200;
	s5 =	sadd.s32 $0x1CCA00, s10;
	[sflag:s3] =	ssyncadd.s32 $0xFFFFFE00  }
0xb: {  	[tilespmem:s7], [sflag:$0x1] =	stream.indirect.gather [hbm4b:s5+s6], $0x80, s2, s6, $0xb8;
	[tilespmem:$0x10200] =	vst v63  }
0xc: {  	s8 =	simm.s32 $0x8200;
	s9 =	simm.s32 $0x1  }
0xd: {  	[tilespmem:s8], [sflag:$0x2] =	stream.indirect.gather [hbm4b:s5+s6], $0x80, s6, s6, $0xb8;
	[tilespmem:$0x10200] =	vst v63  }
0xe: {  	s12 =	sshll.u32 s12, $0x4;
	_ =	swait.ge [sflag:s9], $0x8000  }
0xf: {  	s12 =	sadd.s32 s12, s10;
	[sflag:s9] =	ssyncset.done $0x0  }
0x10: {  	s13 =	ssub.s32 $0x2, s11;
	s10 =	sadd.s32 $0x353400, s12;
	[sflag:s9] =	ssyncadd.s32 $0xFFFF8000  }
0x11: {  	[hbm4b:s10+s2] =	stream.linear.scatter [tilespmem:s7], [sflag:$0x3], $0x8000, $0x38;
	[tilespmem:$0x10200] =	vst v63  }
0x12: {  	s14 =	sshrl.u32 s13, $0x1;
	_ =	swait.ge [sflag:s3], $0x8000  }
0x13: {  	s13 =	ssub.s32 s13, s14;
	[sflag:s3] =	ssyncset.done $0x0  }
0x14: {  	s11 =	simm.s32 $0x2;
	s13 =	smax.u32 s13, $0x1;
	[sflag:s3] =	ssyncadd.s32 $0xFFFF8000  }
0x15: {  	p0 =	sne.s32 s13, $0x1;
	_ =	swait.ge [sflag:s11], $0x8000  }
.Ltmp0:
0x16: {  	[sflag:s11] =	ssyncset.done $0x0;
	(pc) =	sbr.rel @!p0 .LBB2_2-.Ltmp0, $4  }
0x17: {  	s12 =	sadd.s32 $0x354400, s12;
	[sflag:s11] =	ssyncadd.s32 $0xFFFF8000  }
0x18: {  	[hbm4b:s12+s2] =	stream.linear.scatter [tilespmem:s8], [sflag:$0x3], $0x8000, $0x38;
	[tilespmem:$0x10200] =	vst v63  }
0x19: {  	_ =	swait.ge [sflag:s3], $0x8000  }
0x1a: {  	s13 =	sadd.s32 $0xFFFFFFFF, s13;
	[sflag:s3] =	ssyncset.done $0x0  }
.LBB2_1:
0x1b: {  	p0 =	sne.s32 s13, $0x1;
	s13 =	sadd.s32 $0xFFFFFFFF, s13;
	[sflag:s3] =	ssyncadd.s32 $0xFFFF8000  }
0x1c: {  	[tilespmem:s2], [sflag:$0x3] =	stream.linear.gather [hbm4b:s4+s2], $0x200, $0x38;
	[tilespmem:$0x10200] =	vst v63  }
0x1d: {  	_ =	swait.ge [sflag:s3], $0x200  }
0x1e: {  	[sflag:s3] =	ssyncset.done $0x0  }
0x1f: {  	[sflag:s3] =	ssyncadd.s32 $0xFFFFFE00  }
0x20: {  	[tilespmem:s7], [sflag:$0x1] =	stream.indirect.gather [hbm4b:s5+s6], $0x80, s2, s6, $0xb8;
	[tilespmem:$0x10200] =	vst v63  }
0x21: {  	_ = 	snop  }
0x22: {  	[tilespmem:s8], [sflag:$0x2] =	stream.indirect.gather [hbm4b:s5+s6], $0x80, s6, s6, $0xb8;
	[tilespmem:$0x10200] =	vst v63  }
0x23: {  	_ =	swait.ge [sflag:s9], $0x8000  }
0x24: {  	[sflag:s9] =	ssyncset.done $0x0  }
0x25: {  	[sflag:s9] =	ssyncadd.s32 $0xFFFF8000  }
0x26: {  	[hbm4b:s10+s2] =	stream.linear.scatter [tilespmem:s7], [sflag:$0x3], $0x8000, $0x38;
	[tilespmem:$0x10200] =	vst v63  }
0x27: {  	_ =	swait.ge [sflag:s3], $0x8000  }
0x28: {  	[sflag:s3] =	ssyncset.done $0x0  }
0x29: {  	[sflag:s3] =	ssyncadd.s32 $0xFFFF8000  }
0x2a: {  	_ =	swait.ge [sflag:s11], $0x8000  }
.Ltmp1:
0x2b: {  	[sflag:s11] =	ssyncset.done $0x0;
	(pc) =	sbr.rel @p0 .LBB2_1-.Ltmp1, $4  }
0x2c: {  	[sflag:s11] =	ssyncadd.s32 $0xFFFF8000  }
0x2d: {  	[hbm4b:s12+s2] =	stream.linear.scatter [tilespmem:s8], [sflag:$0x3], $0x8000, $0x38;
	[tilespmem:$0x10200] =	vst v63  }
0x2e: {  	_ =	swait.ge [sflag:s3], $0x8000  }
0x2f: {  	[sflag:s3] =	ssyncset.done $0x0  }
.LBB2_2:
0x30: {  	[sflag:s3] =	ssyncadd.s32 $0xFFFF8000  }
0x31: {  	_ =	sfence.sel $0x180000  }
0x32: {  	[bflag:$0x0] =	sbarrier.arrive $0xFFFF  }
0x33: {  	p0 =	sne.s32 s0, $0x0;
	_ =	strace $0x9000004D  }
0x34: {  	s0 =	sadd.s32 @!p0 $0x100000, s1;
	[bflag:$0x2] =	sbarrier.arrive $0xFFFF  }
0x35: {  	[sflag:s0] =	ssyncadd.tile.s32 @!p0 $0x1;
	_ =	shalt  }
.Lfunc_end2:
_tile_overlayer_lowered:
.L_overlay_start_2:
0x36: {  	(tag) =	ssettag $0x2  }
0x37: {  	s0 =	rddreg [dreg:$0x0];
	s2 =	stileid.u32  }
0x38: {  	s1 =	rddreg [dreg:$0x1];
	p0 =	sne.s32 s2, $0x0  }
0x39: {  	s3 =	rddreg [dreg:$0x2];
	[bflag:$0x3] =	sbarrier.arrive $0xFFFF;
	s2 =	simm.s32 @!p0 $0x1C03  }
0x3a: {  	[timem:s3], [sflag:s2] =	dma.local @!p0 [hbm:s0], s1  }
0x3b: {  	s0 =	simm.s32 @!p0 $0x3  }
0x3c: {  	_ =	swait.ge @!p0 [sflag:s0], s1  }
0x3d: {  	s1 =	ssub.s32 @!p0 $0x0, s1;
	[sflag:s0] =	ssyncset.done @!p0 $0x0  }
0x3e: {  	[sflag:s0] =	ssyncadd.s32 @!p0 s1  }
0x3f: {  	[bflag:$0x3] =	sbarrier.arrive $0xFFFF  }
0x40: {  	_ =	shalt  }

// kernel: kernel.20.cloned.1.call-start
scs
__scs_entry_jumppad:
0x0: {  	(pc) =	sbr.rel $0x88, $3  }
0x1: {  	(tag) =	ssettag $0x0;
	lr =	simm.s32 $0x1  }
0x2: {  	[smem:$0x3F95] =	sst lr;
	_ =	strace $0xD0000000  }
0x3: {  	_ = 	snop  }
0x4: {  	_ = 	snop  }
0x5: {  	_ = 	snop  }
0x6: {  	_ = 	snop  }
0x7: {  	_ = 	snop  }
__scs_overlays_trampoline_lowered:
0x8: {  	[smem:$0x3FA4] =	sst s0  }
0x9: {  	[smem:$0x3FA5] =	sst s1  }
0xa: {  	[smem:$0x3FA6] =	sst s2  }
0xb: {  	[smem:$0x3FA7] =	sst s3  }
0xc: {  	[smem:$0x3FA8] =	sst s4  }
0xd: {  	[smem:$0x3FA9] =	sst s5  }
0xe: {  	[smem:$0x3FAA] =	sst s6  }
0xf: {  	[smem:$0x3FAB] =	sst s7  }
0x10: {  	[smem:$0x3FAC] =	sst s8  }
0x11: {  	[smem:$0x3FAD] =	sst s9;
	s0 =	simm.s32 @!p0 $0x0  }
0x12: {  	s1 =	sld [smem:$0x3F93];
	s0 =	simm.s32 @p0 $0x1  }
0x13: {  	[smem:$0x3FAE] =	sst s0;
	s0 =	simm.s32 @!p1 $0x0  }
0x14: {  	s2 =	sld [smem:$0x3F92];
	s0 =	simm.s32 @p1 $0x1  }
0x15: {  	[smem:$0x3FAF] =	sst s0;
	s0 =	simm.s32 @!p2 $0x0  }
0x16: {  	s3 =	sld [smem:$0x3FDB];
	s0 =	simm.s32 @p2 $0x1  }
0x17: {  	s4 =	simm.s32 $0x1BF5;
	[smem:$0x3FB1] =	sst s0  }
0x18: {  	s0 =	sld [smem:$0x3F94];
	_ =	swait.ge [sflag:s4], $0x0  }
0x19: {  	s7 =	sld [smem:$0x3F95]  }
0x1a: {  	s8 =	sadd.s32 $0xFFFFE003, lr  }
0x1b: {  	s9 =	sadd.s32 $0xFFFFFEF7, lr;
	s5 =	simm.s32 $0xFFFFFFFF;
	p2 =	slt.u32 s8, $0xFFFFF086  }
0x1c: {  	p1 =	slt.u32 s9, $0xF7A;
	s5 =	simm.s32 @!p2 $0x0  }
0x1d: {  	s5 =	simm.s32 @p1 $0x1;
	p0 =	seq.s32 s7, s2  }
0x1e: {  	s7 =	smul.u32 @!p0 $0xF7A, s2;
	p2 =	seq.s32 @!p0 s5, $0x0  }
0x1f: {  	s9 =	smul.u32 $0xF7A, s1;
	s8 =	simm.s32 @!p0 $0x1BF5;
	p2 =	por !p2, p0  }
0x20: {  	[sflag:s8] =	ssyncset.s32 @!p0 $0xFFFFF086;
	s6 =	sadd.s32 @!p0 s3, s7;
	s7 =	simm.s32 @!p0 $0x108  }
0x21: {  	s3 =	sadd.s32 s3, s9;
	s6 =	sadd.s32 @!p0 $0x88, s6;
	s7 =	simm.s32 @p2 $0x1082  }
0x22: {  	[simem:s7], [sflag:s8] =	dma.local @!p0 [hbm:s6], $0xF7A  }
0x23: {  	s9 =	sor.u32 $0xD0000000, s2;
	s6 =	simm.s32 $0x108;
	_ =	swait.ge @!p0 [sflag:s8], $0x0  }
0x24: {  	s3 =	sadd.s32 $0x88, s3;
	s6 =	simm.s32 @!p1 $0x1082;
	[sflag:s4] =	ssyncset.s32 $0xFFFFF086  }
0x25: {  	[simem:s6], [sflag:s4] =	dma.local [hbm:s3], $0xF7A  }
0x26: {  	[smem:$0x3F95] =	sst s1;
	(tag) =	ssettag s2;
	_ =	strace s9  }
0x27: {  	s1 =	sld [smem:$0x3FA5]  }
0x28: {  	s2 =	sld [smem:$0x3FA6]  }
0x29: {  	s4 =	sld [smem:$0x3FA8]  }
0x2a: {  	p0 =	seq.s32 s5, $0x0;
	s5 =	sld [smem:$0x3FA9]  }
0x2b: {  	s6 =	sld [smem:$0x3FAA]  }
0x2c: {  	s7 =	sld [smem:$0x3FAB]  }
0x2d: {  	s3 =	simm.s32 $0x108;
	s8 =	sld [smem:$0x3FAC]  }
0x2e: {  	s3 =	simm.s32 @!p0 $0x1082;
	s9 =	sld [smem:$0x3FAD]  }
0x2f: {  	lr =	sadd.s32 s0, s3;
	s0 =	sld [smem:$0x3FA4]  }
0x30: {  	s3 =	sld [smem:$0x3FA7]  }
0x31: {  	[smem:$0x3FB0] =	sst s10  }
0x32: {  	s10 =	sld [smem:$0x3FAE];
	_ =	sdelay $0x3  }
0x33: {  	p0 =	seq.s32 s10, $0x1;
	s10 =	sld [smem:$0x3FB0];
	_ =	sdelay $0x3  }
0x34: {  	[smem:$0x3FB0] =	sst s10  }
0x35: {  	s10 =	sld [smem:$0x3FAF];
	_ =	sdelay $0x3  }
0x36: {  	p1 =	seq.s32 s10, $0x1;
	s10 =	sld [smem:$0x3FB0];
	_ =	sdelay $0x3  }
0x37: {  	[smem:$0x3FB0] =	sst s10  }
0x38: {  	s10 =	sld [smem:$0x3FB1]  }
0x39: {  	_ = 	snop;
	(pc) =	sbr.ind lr, $3  }
0x3a: {  	_ = 	snop  }
0x3b: {  	_ = 	snop  }
0x3c: {  	p2 =	seq.s32 s10, $0x1;
	s10 =	sld [smem:$0x3FB0]  }
0x3d: {  	_ =	shalt  }
0x3e: {  	_ =	shalt  }
0x3f: {  	_ =	shalt  }
0x40: {  	_ =	shalt  }
0x41: {  	_ =	shalt  }
0x42: {  	_ =	shalt  }
0x43: {  	_ =	shalt  }
0x44: {  	_ =	shalt  }
0x45: {  	_ =	shalt  }
0x46: {  	_ =	shalt  }
0x47: {  	_ =	shalt  }
0x48: {  	_ =	shalt  }
0x49: {  	_ =	shalt  }
0x4a: {  	_ =	shalt  }
0x4b: {  	_ =	shalt  }
0x4c: {  	_ =	shalt  }
0x4d: {  	_ =	shalt  }
0x4e: {  	_ =	shalt  }
0x4f: {  	_ =	shalt  }
0x50: {  	_ =	shalt  }
0x51: {  	_ =	shalt  }
0x52: {  	_ =	shalt  }
0x53: {  	_ =	shalt  }
0x54: {  	_ =	shalt  }
0x55: {  	_ =	shalt  }
0x56: {  	_ =	shalt  }
0x57: {  	_ =	shalt  }
0x58: {  	_ =	shalt  }
0x59: {  	_ =	shalt  }
0x5a: {  	_ =	shalt  }
0x5b: {  	_ =	shalt  }
0x5c: {  	_ =	shalt  }
0x5d: {  	_ =	shalt  }
0x5e: {  	_ =	shalt  }
0x5f: {  	_ =	shalt  }
0x60: {  	_ =	shalt  }
0x61: {  	_ =	shalt  }
0x62: {  	_ =	shalt  }
0x63: {  	_ =	shalt  }
0x64: {  	_ =	shalt  }
0x65: {  	_ =	shalt  }
0x66: {  	_ =	shalt  }
0x67: {  	_ =	shalt  }
0x68: {  	_ =	shalt  }
0x69: {  	_ =	shalt  }
0x6a: {  	_ =	shalt  }
0x6b: {  	_ =	shalt  }
0x6c: {  	_ =	shalt  }
0x6d: {  	_ =	shalt  }
0x6e: {  	_ =	shalt  }
0x6f: {  	_ =	shalt  }
0x70: {  	_ =	shalt  }
0x71: {  	_ =	shalt  }
0x72: {  	_ =	shalt  }
0x73: {  	_ =	shalt  }
0x74: {  	_ =	shalt  }
0x75: {  	_ =	shalt  }
0x76: {  	_ =	shalt  }
0x77: {  	_ =	shalt  }
0x78: {  	_ =	shalt  }
0x79: {  	_ =	shalt  }
0x7a: {  	_ =	shalt  }
0x7b: {  	_ =	shalt  }
0x7c: {  	_ =	shalt  }
0x7d: {  	_ =	shalt  }
0x7e: {  	_ =	shalt  }
0x7f: {  	_ =	shalt  }
0x80: {  	_ =	shalt  }
0x81: {  	_ =	shalt  }
0x82: {  	_ =	shalt  }
0x83: {  	_ =	shalt  }
0x84: {  	_ =	shalt  }
0x85: {  	_ =	shalt  }
0x86: {  	_ =	shalt  }
0x87: {  	_ =	shalt  }
.Lfunc_end0:
.L_simem_size_0:
called_computation.3_lowered:
.L_overlay_start_0:
0x88: {  	s2 =	sld [smem:$0x3FD9]  }
0x89: {  	s3 =	sld [smem:$0x3FFE];
	_ =	sdelay $0x1  }
0x8a: {  	s1 =	srdreg.scid  }
0x8b: {  	s0 =	sand.u32 $0x1, s1  }
0x8c: {  	s17 =	sshll.u32 s0, $0xA;
	s2 =	sadd.s32 s3, s2  }
0x8d: {  	s2 =	sadd.s32 s2, s17  }
0x8e: {  	[smem:$0x3FBC] =	sst s2  }
0x8f: {  	_ = 	snop  }
0x90: {  	s18 =	sld [smem:$0x3FC6];
	(tm) =	ssettm $0x1  }
0x91: {  	s19 =	sld [smem:$0x3FFB];
	_ =	sdelay $0x3  }
0x92: {  	_ =	strace s19  }
0x93: {  	s2 =	sld [smem:$0x3FFC];
	_ =	sdelay $0x3  }
0x94: {  	_ =	strace s2  }
0x95: {  	s2 =	sld [smem:$0x3FFD];
	_ =	sdelay $0x3  }
0x96: {  	_ =	strace s2  }
0x97: {  	_ =	strace $0x8FFFFFFF  }
0x98: {  	s20 =	sld [smem:$0x3FDB];
	_ =	sdelay $0x1  }
0x99: {  	s4 =	simm.s32 $_scs_section_size  }
0x9a: {  	s5 =	simm.s32 $_size__tile_overlayer_lowered;
	s6 =	simm.s32 $_tile_overlayer_lowered  }
0x9b: {  	s7 =	simm.s32 $0x1BFF;
	s21 =	sshll.u32 s6, $0x1;
	s4 =	sadd.s32 s4, s20  }
0x9c: {  	s22 =	simm.s32 $0x0;
	s5 =	sshll.u32 s5, $0x1;
	s6 =	sadd.s32 s21, s4  }
0x9d: {  	[timem:s22], [sflag:s7] =	dma.local [hbm:s6], s5  }
0x9e: {  	_ =	swait.ge [sflag:s7], s5  }
0x9f: {  	s5 =	ssub.s32 $0x0, s5;
	[sflag:s7] =	ssyncset.done $0x0  }
0xa0: {  	[sflag:s7] =	ssyncadd.s32 s5;
	_ =	sdelay $0x1  }
0xa1: {  	s23 =	simm.s32 $0x1B8B  }
0xa2: {  	_ =	swait.ge [sflag:s23], $0x1  }
0xa3: {  	[sflag:s23] =	ssyncset.done $0x0  }
0xa4: {  	[sflag:s23] =	ssyncadd.s32 $0xFFFFFFFF  }
0xa5: {  	s5 =	sld [smem:$0x0]  }
0xa6: {  	s6 =	sand.u32 $0xFFFFFFFE, s1  }
0xa7: {  	p0 =	sne.s32 s1, s6  }
0xa8: {  	s6 =	sshll.u32 @p0 s6, $0xE  }
0xa9: {  	s6 =	sadd.s32 @p0 $0x11B8D, s6;
	s7 =	sshll.u32 @p0 s5, $0x11  }
0xaa: {  	s6 =	sor.u32 @p0 s7, s6  }
0xab: {  	[sflag:s6] =	ssyncadd.remote.s32 @p0 $0x1;
	_ =	sdelay $0x1  }
0xac: {  	s6 =	simm.s32 @p0 $0x1B8D  }
0xad: {  	_ =	swait.eq @p0 [sflag:s6], $0x1  }
0xae: {  	[sflag:s6] =	ssyncadd.s32 @p0 $0xFFFFFFFF  }
0xaf: {  	s7 =	sshll.u32 @!p0 s1, $0xE  }
0xb0: {  	s7 =	sor.u32 @!p0 $0x4000, s7;
	s6 =	simm.s32 @!p0 $0x1B8D  }
0xb1: {  	s5 =	sshll.u32 @!p0 s5, $0x11;
	s7 =	sadd.s32 @!p0 $0x11B8D, s7;
	_ =	swait.eq @!p0 [sflag:s6], $0x1  }
0xb2: {  	s5 =	sor.u32 @!p0 s5, s7;
	[sflag:s6] =	ssyncadd.s32 @!p0 $0xFFFFFFFF  }
0xb3: {  	s25 =	simm.s32 $0x1B8E;
	s24 =	sld [smem:$0x3FFE];
	[sflag:s5] =	ssyncadd.remote.s32 @!p0 $0x1  }
0xb4: {  	s26 =	simm.s32 $execute0_lowered;
	[smem:$0x3FD2] =	sst s25  }
0xb5: {  	s6 =	sshll.u32 s26, $0x1;
	_ =	strace $0x8000004F;
	[dreg:$0x1] =	wrdreg $0xFFFFFFFF  }
0xb6: {  	s28 =	simm.s32 $_size_execute0_lowered;
	s4 =	sadd.s32 s4, s6;
	[dreg:$0x0] =	wrdreg $0x0  }
0xb7: {  	s6 =	sshll.u32 s28, $0x1;
	[dreg:$0x2] =	wrdreg s4  }
0xb8: {  	[dreg:$0x3] =	wrdreg s6  }
0xb9: {  	[dreg:$0x4] =	wrdreg $0xC0  }
0xba: {  	_ =	task [dreg:s22], $0x5FFFF  }
0xbb: {  	[dreg:$0x1] =	wrdreg $0xFFFFFFFF  }
0xbc: {  	[dreg:$0x0] =	wrdreg $0x60  }
0xbd: {  	[dreg:$0x2] =	wrdreg s18  }
0xbe: {  	[dreg:$0x3] =	wrdreg s24  }
0xbf: {  	[dreg:$0x4] =	wrdreg $0xC  }
0xc0: {  	_ =	task.clear_ibuf [dreg:s22], $0x5FFFF;
	_ =	strace $0x9000004F  }
0xc1: {  	s29 =	simm.s32 $0xC;
	_ =	strace $0x80000051  }
0xc2: {  	_ =	swait.ge [sflag:s29], $0x1  }
0xc3: {  	[sflag:s29] =	ssyncadd.s32 $0xFFFFFFFF  }
0xc4: {  	_ =	strace $0x90000051  }
0xc5: {  	_ =	sfence  }
0xc6: {  	s30 =	sld [smem:$0x0];
	_ =	sdelay $0x2  }
0xc7: {  	s31 =	sshll.u32 s1, $0xD;
	s1 =	sshrl.u32 s1, $0x2  }
0xc8: {  	s4 =	sand.u32 $0x4000, s31;
	s1 =	sadd.s32 s1, s30  }
0xc9: {  	s0 =	sor.u32 s4, s0;
	s1 =	sshll.u32 s1, $0x11  }
0xca: {  	s0 =	sor.u32 s1, s0  }
0xcb: {  	s0 =	sadd.s32 $0x8F2B, s0  }
0xcc: {  	[sflag:s0] =	ssyncadd.remote.s32 $0x1  }
0xcd: {  	_ =	sfence.sel $0xFFFF  }
0xce: {  	[dreg:$0x0] =	wrdreg $0xFFFFFFFF;
	(pc) =	sbr.abs _section_cstart, $3  }
0xcf: {  	[dreg:$0x1] =	wrdreg $0xFFFFFFFF  }
0xd0: {  	_ =	task.clear_ibuf [dreg:s22], $0x2FFFF;
	_ =	strace $0x9FFFFFFF  }
0xd1: {  	(tm) =	ssettm $0x7FFFFFFF  }
tec
execute0_lowered:
.L_overlay_start_1:
0x0: {  	(tag) =	ssettag $0x1  }
0x1: {  	s1 =	srdreg.scid  }
0x2: {  	s3 =	rddreg [dreg:$0x0];
	s0 =	stileid.u32;
	s11 =	sand.u32 $0x1, s1  }
0x3: {  	s10 =	rddreg [dreg:$0x1];
	s4 =	sshll.u32 s0, $0xA;
	s5 =	sshll.u32 s11, $0x9  }
0x4: {  	s2 =	simm.s32 $0x0;
	s1 =	rddreg [dreg:$0x2];
	s12 =	sor.u32 s5, s4  }
0x5: {  	[smem:$0x7FF] =	sst s2;
	s4 =	sshrl.u32 s12, $0x3  }
0x6: {  	_ =	strace $0x80000050;
	s4 =	sadd.s32 s3, s4;
	s3 =	simm.s32 $0x3  }
0x7: {  	[tilespmem:s2], [sflag:$0x3] =	stream.linear.gather [hbm4b:s4+s2], $0x200, $0x38;
	[tilespmem:$0x10200] =	vst v63  }
0x8: {  	_ =	swait.ge [sflag:s3], $0x200  }
0x9: {  	s6 =	simm.s32 $0x100;
	[sflag:s3] =	ssyncset.done $0x0  }
0xa: {  	s7 =	simm.s32 $0x200;
	s5 =	sadd.s32 $0x393400, s10;
	[sflag:s3] =	ssyncadd.s32 $0xFFFFFE00  }
0xb: {  	[tilespmem:s7], [sflag:$0x1] =	stream.indirect.gather [hbm4b:s5+s6], $0x80, s2, s6, $0xb8;
	[tilespmem:$0x10200] =	vst v63  }
0xc: {  	s8 =	simm.s32 $0x8200;
	s9 =	simm.s32 $0x1  }
0xd: {  	[tilespmem:s8], [sflag:$0x2] =	stream.indirect.gather [hbm4b:s5+s6], $0x80, s6, s6, $0xb8;
	[tilespmem:$0x10200] =	vst v63  }
0xe: {  	s12 =	sshll.u32 s12, $0x4;
	_ =	swait.ge [sflag:s9], $0x8000  }
0xf: {  	s12 =	sadd.s32 s12, s10;
	[sflag:s9] =	ssyncset.done $0x0  }
0x10: {  	s13 =	ssub.s32 $0x2, s11;
	s10 =	sadd.s32 $0x519E00, s12;
	[sflag:s9] =	ssyncadd.s32 $0xFFFF8000  }
0x11: {  	[hbm4b:s10+s2] =	stream.linear.scatter [tilespmem:s7], [sflag:$0x3], $0x8000, $0x38;
	[tilespmem:$0x10200] =	vst v63  }
0x12: {  	s14 =	sshrl.u32 s13, $0x1;
	_ =	swait.ge [sflag:s3], $0x8000  }
0x13: {  	s13 =	ssub.s32 s13, s14;
	[sflag:s3] =	ssyncset.done $0x0  }
0x14: {  	s11 =	simm.s32 $0x2;
	s13 =	smax.u32 s13, $0x1;
	[sflag:s3] =	ssyncadd.s32 $0xFFFF8000  }
0x15: {  	p0 =	sne.s32 s13, $0x1;
	_ =	swait.ge [sflag:s11], $0x8000  }
.Ltmp0:
0x16: {  	[sflag:s11] =	ssyncset.done $0x0;
	(pc) =	sbr.rel @!p0 .LBB2_2-.Ltmp0, $4  }
0x17: {  	s12 =	sadd.s32 $0x51AE00, s12;
	[sflag:s11] =	ssyncadd.s32 $0xFFFF8000  }
0x18: {  	[hbm4b:s12+s2] =	stream.linear.scatter [tilespmem:s8], [sflag:$0x3], $0x8000, $0x38;
	[tilespmem:$0x10200] =	vst v63  }
0x19: {  	_ =	swait.ge [sflag:s3], $0x8000  }
0x1a: {  	s13 =	sadd.s32 $0xFFFFFFFF, s13;
	[sflag:s3] =	ssyncset.done $0x0  }
.LBB2_1:
0x1b: {  	p0 =	sne.s32 s13, $0x1;
	s13 =	sadd.s32 $0xFFFFFFFF, s13;
	[sflag:s3] =	ssyncadd.s32 $0xFFFF8000  }
0x1c: {  	[tilespmem:s2], [sflag:$0x3] =	stream.linear.gather [hbm4b:s4+s2], $0x200, $0x38;
	[tilespmem:$0x10200] =	vst v63  }
0x1d: {  	_ =	swait.ge [sflag:s3], $0x200  }
0x1e: {  	[sflag:s3] =	ssyncset.done $0x0  }
0x1f: {  	[sflag:s3] =	ssyncadd.s32 $0xFFFFFE00  }
0x20: {  	[tilespmem:s7], [sflag:$0x1] =	stream.indirect.gather [hbm4b:s5+s6], $0x80, s2, s6, $0xb8;
	[tilespmem:$0x10200] =	vst v63  }
0x21: {  	_ = 	snop  }
0x22: {  	[tilespmem:s8], [sflag:$0x2] =	stream.indirect.gather [hbm4b:s5+s6], $0x80, s6, s6, $0xb8;
	[tilespmem:$0x10200] =	vst v63  }
0x23: {  	_ =	swait.ge [sflag:s9], $0x8000  }
0x24: {  	[sflag:s9] =	ssyncset.done $0x0  }
0x25: {  	[sflag:s9] =	ssyncadd.s32 $0xFFFF8000  }
0x26: {  	[hbm4b:s10+s2] =	stream.linear.scatter [tilespmem:s7], [sflag:$0x3], $0x8000, $0x38;
	[tilespmem:$0x10200] =	vst v63  }
0x27: {  	_ =	swait.ge [sflag:s3], $0x8000  }
0x28: {  	[sflag:s3] =	ssyncset.done $0x0  }
0x29: {  	[sflag:s3] =	ssyncadd.s32 $0xFFFF8000  }
0x2a: {  	_ =	swait.ge [sflag:s11], $0x8000  }
.Ltmp1:
0x2b: {  	[sflag:s11] =	ssyncset.done $0x0;
	(pc) =	sbr.rel @p0 .LBB2_1-.Ltmp1, $4  }
0x2c: {  	[sflag:s11] =	ssyncadd.s32 $0xFFFF8000  }
0x2d: {  	[hbm4b:s12+s2] =	stream.linear.scatter [tilespmem:s8], [sflag:$0x3], $0x8000, $0x38;
	[tilespmem:$0x10200] =	vst v63  }
0x2e: {  	_ =	swait.ge [sflag:s3], $0x8000  }
0x2f: {  	[sflag:s3] =	ssyncset.done $0x0  }
.LBB2_2:
0x30: {  	[sflag:s3] =	ssyncadd.s32 $0xFFFF8000  }
0x31: {  	_ =	sfence.sel $0x180000  }
0x32: {  	[bflag:$0x0] =	sbarrier.arrive $0xFFFF  }
0x33: {  	p0 =	sne.s32 s0, $0x0;
	_ =	strace $0x90000050  }
0x34: {  	s0 =	sadd.s32 @!p0 $0x100000, s1;
	[bflag:$0x2] =	sbarrier.arrive $0xFFFF  }
0x35: {  	[sflag:s0] =	ssyncadd.tile.s32 @!p0 $0x1;
	_ =	shalt  }
.Lfunc_end2:
_tile_overlayer_lowered:
.L_overlay_start_2:
0x36: {  	(tag) =	ssettag $0x2  }
0x37: {  	s0 =	rddreg [dreg:$0x0];
	s2 =	stileid.u32  }
0x38: {  	s1 =	rddreg [dreg:$0x1];
	p0 =	sne.s32 s2, $0x0  }
0x39: {  	s3 =	rddreg [dreg:$0x2];
	[bflag:$0x3] =	sbarrier.arrive $0xFFFF;
	s2 =	simm.s32 @!p0 $0x1C03  }
0x3a: {  	[timem:s3], [sflag:s2] =	dma.local @!p0 [hbm:s0], s1  }
0x3b: {  	s0 =	simm.s32 @!p0 $0x3  }
0x3c: {  	_ =	swait.ge @!p0 [sflag:s0], s1  }
0x3d: {  	s1 =	ssub.s32 @!p0 $0x0, s1;
	[sflag:s0] =	ssyncset.done @!p0 $0x0  }
0x3e: {  	[sflag:s0] =	ssyncadd.s32 @!p0 s1  }
0x3f: {  	[bflag:$0x3] =	sbarrier.arrive $0xFFFF  }
0x40: {  	_ =	shalt  }

</sc_bundles>
